<compile_context>
chip_gen: v7x
topology: tpu7x:2x2x1
jax: 0.10.2.dev20260603
libtpu: 0.0.44.dev20260713+nightly
codegen_flags: <defaults>
</compile_context>

<pallas_src>
import functools

import jax
import jax.numpy as jnp
from jax import lax
from jax.experimental import pallas as pl
from jax.experimental.pallas import tpu as pltpu, tpu_sc as plsc

VOCAB = 100000
EMB = 64
BATCH = 16384

_info = plsc.get_sparse_core_info()
_NC, _NS, _L = _info.num_cores, _info.num_subcores, _info.num_lanes
_NW = _NC * _NS
_FPW = EMB // _NW
_OCHUNK = 4096
_NOC = BATCH // _OCHUNK

_mesh = plsc.VectorSubcoreMesh(core_axis_name="c", subcore_axis_name="s")


@functools.partial(
    pl.kernel,
    mesh=_mesh,
    out_type=jax.ShapeDtypeStruct((EMB, BATCH), jnp.float32),
    compiler_params=pltpu.CompilerParams(skip_device_barrier=True,
                                         needs_layout_passes=False,
                                         disable_bounds_checks=True),
    scratch_types=[
        pltpu.VMEM((VOCAB + 1,), jnp.float32),
        pltpu.VMEM((BATCH,), jnp.int32),
        pltpu.VMEM((2, _OCHUNK), jnp.float32),
        pltpu.SemaphoreType.DMA,
        pltpu.SemaphoreType.DMA,
        pltpu.SemaphoreType.DMA,
    ],
)
def _gather_kernel(idx_hbm, tableT_hbm, outT_hbm, row_v, idx_v, oc_v,
                   rsem, isem, osem):
    wid = lax.axis_index("s") * _NC + lax.axis_index("c")
    idx_copy = None
    for f in range(_FPW):
        e = wid * _FPW + f
        row_copy = pltpu.async_copy(tableT_hbm.at[e], row_v, rsem)
        if f == 0:
            idx_copy = pltpu.async_copy(idx_hbm, idx_v, isem)
        row_copy.wait()
        if f == 0:
            idx_copy.wait()
        flushes = {}
        for oc in range(_NOC):
            buf = oc % 2
            if oc >= 2:
                flushes[oc - 2].wait()

            @plsc.parallel_loop(0, _OCHUNK // _L, unroll=8)
            def _gather_body(g, oc=oc, buf=buf):
                vec = idx_v[pl.ds(oc * _OCHUNK + g * _L, _L)] + 1
                oc_v[buf, pl.ds(g * _L, _L)] = plsc.load_gather(
                    row_v, [vec])
            flushes[oc] = pltpu.async_copy(
                oc_v.at[buf],
                outT_hbm.at[e, pl.ds(oc * _OCHUNK, _OCHUNK)],
                osem)
        flushes[_NOC - 2].wait()
        flushes[_NOC - 1].wait()


def kernel(chain_id, embedding_table):
    outT = _gather_kernel(chain_id, embedding_table.T)
    return outT.T

# --- scband reference (transcript-rebuilt; emitter-appended) ---
"""Pipeline reference for scband-chain-model-8134668059051 (READ-ONLY COPY).

The authoritative reference and input builder live on the scoring server;
editing this copy changes nothing except your own understanding.
"""

import jax, jax.numpy as jnp
import numpy as np

VOCAB = 100000      # number of unique chain ids
EMB = 64            # chain_emb_size
BATCH = 16384


def setup_inputs(seed: int = 0) -> dict:
    key = jax.random.key(seed)
    k_idx, k_tab = jax.random.split(key)
    # chain_id: integer ids already passed through StringLookup semantics
    # (raw ids in [0, VOCAB); lookup maps them to [1, VOCAB], 0 reserved for mask/OOV)
    chain_id = jax.random.randint(k_idx, (BATCH,), 0, VOCAB, dtype=jnp.int32)
    # Embedding table: (VOCAB + 1, EMB) matching
    # tf.keras.layers.Embedding(len(unique_chain_ids) + 1, chain_emb_size)
    embedding_table = jax.random.normal(k_tab, (VOCAB + 1, EMB), dtype=jnp.float32) * 0.05
    return {"chain_id": chain_id, "embedding_table": embedding_table}


def reference(chain_id, embedding_table):
    # ChainModel configured with chain_cuisine_feat=False and no side features:
    # feat_to_partial_tower == {'chain_id': self.chain_embedding}, so
    # call() returns self.chain_embedding(chains_df['chain_id']).
    # chain_embedding = Sequential([StringLookup(vocab, mask_token='0'), Embedding]).
    # StringLookup maps known string ids -> indices in [1, VOCAB]; model that
    # by shifting the raw integer ids by +1, then gather from the table.
    idx = chain_id + 1
    out = jnp.take(embedding_table, idx, axis=0)
    return out

if __name__ == "__main__":
    import jax
    _d = setup_inputs()
    print(jax.jit(kernel)(*tuple(_d.values())))

</pallas_src>

<mosaic_0001>
#map = affine_map<(d0, d1) -> (0)>
#map1 = affine_map<(d0, d1) -> (0, 0)>
module attributes {stable_mosaic.version = 14 : i64} {
  func.func @_gather_kernel(%arg0: i32, %arg1: i32, %arg2: memref<16384xi32, #tpu.memory_space<hbm>>, %arg3: memref<64x100001xf32, #tpu.memory_space<hbm>>, %arg4: memref<64x16384xf32, #tpu.memory_space<hbm>>, %arg5: memref<100001xf32, #tpu.memory_space<vmem>>, %arg6: memref<16384xi32, #tpu.memory_space<vmem>>, %arg7: memref<2x4096xf32, #tpu.memory_space<vmem>>, %arg8: memref<!tpu.dma_semaphore, #tpu.memory_space<semaphore_mem>>, %arg9: memref<!tpu.dma_semaphore, #tpu.memory_space<semaphore_mem>>, %arg10: memref<!tpu.dma_semaphore, #tpu.memory_space<semaphore_mem>>) attributes {dimension_semantics = [#tpu.dimension_semantics<core_parallel>, #tpu.dimension_semantics<subcore_parallel>], iteration_bounds = array<i64: 2, 16>, scalar_prefetch = 0 : i64, scratch_operands = 6 : i64, tpu.core_type = #tpu.core_type<sc_vector_subcore>, window_params = [{transform_indices = #map}, {transform_indices = #map1}, {transform_indices = #map1}]} {
    %mul3A = arith.constant 2 : i32
    %mul3A_0 = arith.muli %arg1, %mul3A : i32
    %add3A = arith.addi %mul3A_0, %arg0 : i32
    %mul3A_1 = arith.constant 2 : i32
    %mul3A_2 = arith.muli %add3A, %mul3A_1 : i32
    %add3A_3 = arith.constant 0 : i32
    %add3A_4 = arith.addi %mul3A_2, %add3A_3 : i32
    %dma_start3A = arith.constant 0 : i32
    %dma_start3A_5 = tpu.memref_slice %arg3[%add3A_4, %dma_start3A] : memref<64x100001xf32, #tpu.memory_space<hbm>> -> memref<1x100001xf32, #tpu.memory_space<hbm>>
    %dma_start3A_6 = tpu.memref_squeeze %dma_start3A_5 : memref<1x100001xf32, #tpu.memory_space<hbm>> -> memref<100001xf32, #tpu.memory_space<hbm>>
    %dma_start3A_7 = arith.constant 0 : i32
    %dma_start3A_8 = tpu.memref_slice %arg3[%add3A_4, %dma_start3A_7] : memref<64x100001xf32, #tpu.memory_space<hbm>> -> memref<1x100001xf32, #tpu.memory_space<hbm>>
    %dma_start3A_9 = tpu.memref_squeeze %dma_start3A_8 : memref<1x100001xf32, #tpu.memory_space<hbm>> -> memref<100001xf32, #tpu.memory_space<hbm>>
    tpu.enqueue_dma source(%dma_start3A_9 : memref<100001xf32, #tpu.memory_space<hbm>>) target(%arg5 : memref<100001xf32, #tpu.memory_space<vmem>>) target_semaphore(%arg8 : memref<!tpu.dma_semaphore, #tpu.memory_space<semaphore_mem>>)
    tpu.enqueue_dma source(%arg2 : memref<16384xi32, #tpu.memory_space<hbm>>) target(%arg6 : memref<16384xi32, #tpu.memory_space<vmem>>) target_semaphore(%arg9 : memref<!tpu.dma_semaphore, #tpu.memory_space<semaphore_mem>>)
    %dma_wait3A = arith.constant 0 : i32
    %dma_wait3A_10 = tpu.memref_slice %arg3[%add3A_4, %dma_wait3A] : memref<64x100001xf32, #tpu.memory_space<hbm>> -> memref<1x100001xf32, #tpu.memory_space<hbm>>
    %dma_wait3A_11 = tpu.memref_squeeze %dma_wait3A_10 : memref<1x100001xf32, #tpu.memory_space<hbm>> -> memref<100001xf32, #tpu.memory_space<hbm>>
    %dma_wait3A_12 = arith.constant 0 : i32
    %dma_wait3A_13 = tpu.memref_slice %arg3[%add3A_4, %dma_wait3A_12] : memref<64x100001xf32, #tpu.memory_space<hbm>> -> memref<1x100001xf32, #tpu.memory_space<hbm>>
    %dma_wait3A_14 = tpu.memref_squeeze %dma_wait3A_13 : memref<1x100001xf32, #tpu.memory_space<hbm>> -> memref<100001xf32, #tpu.memory_space<hbm>>
    tpu.wait_dma2 semaphore(%arg8 : memref<!tpu.dma_semaphore, #tpu.memory_space<semaphore_mem>>) src(%dma_wait3A_14 : memref<100001xf32, #tpu.memory_space<hbm>>) dst(%arg5 : memref<100001xf32, #tpu.memory_space<vmem>>)
    tpu.wait_dma2 semaphore(%arg9 : memref<!tpu.dma_semaphore, #tpu.memory_space<semaphore_mem>>) src(%arg2 : memref<16384xi32, #tpu.memory_space<hbm>>) dst(%arg6 : memref<16384xi32, #tpu.memory_space<vmem>>)
    %parallel_loop3A = arith.constant 0 : i32
    %parallel_loop3A_15 = arith.constant 256 : i32
    %parallel_loop3A_16 = arith.constant 1 : i32
    scf.for %parallel_loop3A_262 = %parallel_loop3A to %parallel_loop3A_15 step %parallel_loop3A_16  : i32 {
      %parallel_loop3A_263 = arith.constant 16 : i32
      %parallel_loop3A_264 = arith.muli %parallel_loop3A_262, %parallel_loop3A_263 : i32
      %parallel_loop3A_265 = arith.constant 0 : i32
      %parallel_loop3A_266 = arith.addi %parallel_loop3A_265, %parallel_loop3A_264 : i32
      %parallel_loop3A_267 = arith.index_cast %parallel_loop3A_266 : i32 to index
      %parallel_loop3A_268 = tpu.vector_load %arg6[%parallel_loop3A_267] {strides = array<i32>} : memref<16384xi32, #tpu.memory_space<vmem>>, vector<16xi32>,
      %parallel_loop3A_269 = arith.constant 1 : i32
      %parallel_loop3A_270 = vector.broadcast %parallel_loop3A_269 : i32 to vector<16xi32>
      %parallel_loop3A_271 = arith.addi %parallel_loop3A_268, %parallel_loop3A_270 : vector<16xi32>
      %parallel_loop3A_272 = tpu.vector_load_idx %arg5[%parallel_loop3A_271] : memref<100001xf32, #tpu.memory_space<vmem>>[vector<16xi32>], vector<16xf32>,
      %parallel_loop3A_273 = arith.constant 16 : i32
      %parallel_loop3A_274 = arith.muli %parallel_loop3A_262, %parallel_loop3A_273 : i32
      %parallel_loop3A_275 = arith.constant 0 : i32
      %parallel_loop3A_276 = arith.index_cast %parallel_loop3A_275 : i32 to index
      %parallel_loop3A_277 = arith.index_cast %parallel_loop3A_274 : i32 to index
      %parallel_loop3A_278 = tpu.vector_load %arg7[%parallel_loop3A_276, %parallel_loop3A_277] {strides = array<i32>} : memref<2x4096xf32, #tpu.memory_space<vmem>>, vector<16xf32>,
      tpu.vector_store %arg7[%parallel_loop3A_276, %parallel_loop3A_277], %parallel_loop3A_272 {strides = array<i32>} : memref<2x4096xf32, #tpu.memory_space<vmem>>, vector<16xf32>,
    } {sc.loop_unroll_factor = 8 : i64, sc.parallel_access}
    %dma_start3A_17 = arith.constant 0 : i32
    %dma_start3A_18 = arith.constant 0 : i32
    %dma_start3A_19 = tpu.memref_slice %arg7[%dma_start3A_17, %dma_start3A_18] : memref<2x4096xf32, #tpu.memory_space<vmem>> -> memref<1x4096xf32, #tpu.memory_space<vmem>>
    %dma_start3A_20 = tpu.memref_squeeze %dma_start3A_19 : memref<1x4096xf32, #tpu.memory_space<vmem>> -> memref<4096xf32, #tpu.memory_space<vmem>>
    %dma_start3A_21 = arith.constant 0 : i32
    %dma_start3A_22 = tpu.memref_slice %arg4[%add3A_4, %dma_start3A_21] : memref<64x16384xf32, #tpu.memory_space<hbm>> -> memref<1x4096xf32, #tpu.memory_space<hbm>>
    %dma_start3A_23 = tpu.memref_squeeze %dma_start3A_22 : memref<1x4096xf32, #tpu.memory_space<hbm>> -> memref<4096xf32, #tpu.memory_space<hbm>>
    %dma_start3A_24 = arith.constant 0 : i32
    %dma_start3A_25 = tpu.memref_slice %arg4[%add3A_4, %dma_start3A_24] : memref<64x16384xf32, #tpu.memory_space<hbm>> -> memref<1x4096xf32, #tpu.memory_space<hbm>>
    %dma_start3A_26 = tpu.memref_squeeze %dma_start3A_25 : memref<1x4096xf32, #tpu.memory_space<hbm>> -> memref<4096xf32, #tpu.memory_space<hbm>>
    %dma_start3A_27 = arith.constant 0 : i32
    %dma_start3A_28 = tpu.memref_slice %arg7[%dma_start3A_17, %dma_start3A_27] : memref<2x4096xf32, #tpu.memory_space<vmem>> -> memref<1x4096xf32, #tpu.memory_space<vmem>>
    %dma_start3A_29 = tpu.memref_squeeze %dma_start3A_28 : memref<1x4096xf32, #tpu.memory_space<vmem>> -> memref<4096xf32, #tpu.memory_space<vmem>>
    tpu.enqueue_dma source(%dma_start3A_29 : memref<4096xf32, #tpu.memory_space<vmem>>) target(%dma_start3A_26 : memref<4096xf32, #tpu.memory_space<hbm>>) target_semaphore(%arg10 : memref<!tpu.dma_semaphore, #tpu.memory_space<semaphore_mem>>)
    %parallel_loop3A_30 = arith.constant 0 : i32
    %parallel_loop3A_31 = arith.constant 256 : i32
    %parallel_loop3A_32 = arith.constant 1 : i32
    scf.for %parallel_loop3A_262 = %parallel_loop3A_30 to %parallel_loop3A_31 step %parallel_loop3A_32  : i32 {
      %parallel_loop3A_263 = arith.constant 16 : i32
      %parallel_loop3A_264 = arith.muli %parallel_loop3A_262, %parallel_loop3A_263 : i32
      %parallel_loop3A_265 = arith.constant 4096 : i32
      %parallel_loop3A_266 = arith.addi %parallel_loop3A_265, %parallel_loop3A_264 : i32
      %parallel_loop3A_267 = arith.index_cast %parallel_loop3A_266 : i32 to index
      %parallel_loop3A_268 = tpu.vector_load %arg6[%parallel_loop3A_267] {strides = array<i32>} : memref<16384xi32, #tpu.memory_space<vmem>>, vector<16xi32>,
      %parallel_loop3A_269 = arith.constant 1 : i32
      %parallel_loop3A_270 = vector.broadcast %parallel_loop3A_269 : i32 to vector<16xi32>
      %parallel_loop3A_271 = arith.addi %parallel_loop3A_268, %parallel_loop3A_270 : vector<16xi32>
      %parallel_loop3A_272 = tpu.vector_load_idx %arg5[%parallel_loop3A_271] : memref<100001xf32, #tpu.memory_space<vmem>>[vector<16xi32>], vector<16xf32>,
      %parallel_loop3A_273 = arith.constant 16 : i32
      %parallel_loop3A_274 = arith.muli %parallel_loop3A_262, %parallel_loop3A_273 : i32
      %parallel_loop3A_275 = arith.constant 1 : i32
      %parallel_loop3A_276 = arith.index_cast %parallel_loop3A_275 : i32 to index
      %parallel_loop3A_277 = arith.index_cast %parallel_loop3A_274 : i32 to index
      %parallel_loop3A_278 = tpu.vector_load %arg7[%parallel_loop3A_276, %parallel_loop3A_277] {strides = array<i32>} : memref<2x4096xf32, #tpu.memory_space<vmem>>, vector<16xf32>,
      tpu.vector_store %arg7[%parallel_loop3A_276, %parallel_loop3A_277], %parallel_loop3A_272 {strides = array<i32>} : memref<2x4096xf32, #tpu.memory_space<vmem>>, vector<16xf32>,
    } {sc.loop_unroll_factor = 8 : i64, sc.parallel_access}
    %dma_start3A_33 = arith.constant 1 : i32
    %dma_start3A_34 = arith.constant 0 : i32
    %dma_start3A_35 = tpu.memref_slice %arg7[%dma_start3A_33, %dma_start3A_34] : memref<2x4096xf32, #tpu.memory_space<vmem>> -> memref<1x4096xf32, #tpu.memory_space<vmem>>
    %dma_start3A_36 = tpu.memref_squeeze %dma_start3A_35 : memref<1x4096xf32, #tpu.memory_space<vmem>> -> memref<4096xf32, #tpu.memory_space<vmem>>
    %dma_start3A_37 = arith.constant 4096 : i32
    %dma_start3A_38 = tpu.memref_slice %arg4[%add3A_4, %dma_start3A_37] : memref<64x16384xf32, #tpu.memory_space<hbm>> -> memref<1x4096xf32, #tpu.memory_space<hbm>>
    %dma_start3A_39 = tpu.memref_squeeze %dma_start3A_38 : memref<1x4096xf32, #tpu.memory_space<hbm>> -> memref<4096xf32, #tpu.memory_space<hbm>>
    %dma_start3A_40 = arith.constant 4096 : i32
    %dma_start3A_41 = tpu.memref_slice %arg4[%add3A_4, %dma_start3A_40] : memref<64x16384xf32, #tpu.memory_space<hbm>> -> memref<1x4096xf32, #tpu.memory_space<hbm>>
    %dma_start3A_42 = tpu.memref_squeeze %dma_start3A_41 : memref<1x4096xf32, #tpu.memory_space<hbm>> -> memref<4096xf32, #tpu.memory_space<hbm>>
    %dma_start3A_43 = arith.constant 0 : i32
    %dma_start3A_44 = tpu.memref_slice %arg7[%dma_start3A_33, %dma_start3A_43] : memref<2x4096xf32, #tpu.memory_space<vmem>> -> memref<1x4096xf32, #tpu.memory_space<vmem>>
    %dma_start3A_45 = tpu.memref_squeeze %dma_start3A_44 : memref<1x4096xf32, #tpu.memory_space<vmem>> -> memref<4096xf32, #tpu.memory_space<vmem>>
    tpu.enqueue_dma source(%dma_start3A_45 : memref<4096xf32, #tpu.memory_space<vmem>>) target(%dma_start3A_42 : memref<4096xf32, #tpu.memory_space<hbm>>) target_semaphore(%arg10 : memref<!tpu.dma_semaphore, #tpu.memory_space<semaphore_mem>>)
    %dma_wait3A_46 = arith.constant 0 : i32
    %dma_wait3A_47 = arith.constant 0 : i32
    %dma_wait3A_48 = tpu.memref_slice %arg7[%dma_wait3A_46, %dma_wait3A_47] : memref<2x4096xf32, #tpu.memory_space<vmem>> -> memref<1x4096xf32, #tpu.memory_space<vmem>>
    %dma_wait3A_49 = tpu.memref_squeeze %dma_wait3A_48 : memref<1x4096xf32, #tpu.memory_space<vmem>> -> memref<4096xf32, #tpu.memory_space<vmem>>
    %dma_wait3A_50 = arith.constant 0 : i32
    %dma_wait3A_51 = tpu.memref_slice %arg4[%add3A_4, %dma_wait3A_50] : memref<64x16384xf32, #tpu.memory_space<hbm>> -> memref<1x4096xf32, #tpu.memory_space<hbm>>
    %dma_wait3A_52 = tpu.memref_squeeze %dma_wait3A_51 : memref<1x4096xf32, #tpu.memory_space<hbm>> -> memref<4096xf32, #tpu.memory_space<hbm>>
    %dma_wait3A_53 = arith.constant 0 : i32
    %dma_wait3A_54 = tpu.memref_slice %arg4[%add3A_4, %dma_wait3A_53] : memref<64x16384xf32, #tpu.memory_space<hbm>> -> memref<1x4096xf32, #tpu.memory_space<hbm>>
    %dma_wait3A_55 = tpu.memref_squeeze %dma_wait3A_54 : memref<1x4096xf32, #tpu.memory_space<hbm>> -> memref<4096xf32, #tpu.memory_space<hbm>>
    %dma_wait3A_56 = arith.constant 0 : i32
    %dma_wait3A_57 = tpu.memref_slice %arg7[%dma_wait3A_46, %dma_wait3A_56] : memref<2x4096xf32, #tpu.memory_space<vmem>> -> memref<1x4096xf32, #tpu.memory_space<vmem>>
    %dma_wait3A_58 = tpu.memref_squeeze %dma_wait3A_57 : memref<1x4096xf32, #tpu.memory_space<vmem>> -> memref<4096xf32, #tpu.memory_space<vmem>>
    tpu.wait_dma2 semaphore(%arg10 : memref<!tpu.dma_semaphore, #tpu.memory_space<semaphore_mem>>) src(%dma_wait3A_58 : memref<4096xf32, #tpu.memory_space<vmem>>) dst(%dma_wait3A_55 : memref<4096xf32, #tpu.memory_space<hbm>>)
    %parallel_loop3A_59 = arith.constant 0 : i32
    %parallel_loop3A_60 = arith.constant 256 : i32
    %parallel_loop3A_61 = arith.constant 1 : i32
    scf.for %parallel_loop3A_262 = %parallel_loop3A_59 to %parallel_loop3A_60 step %parallel_loop3A_61  : i32 {
      %parallel_loop3A_263 = arith.constant 16 : i32
      %parallel_loop3A_264 = arith.muli %parallel_loop3A_262, %parallel_loop3A_263 : i32
      %parallel_loop3A_265 = arith.constant 8192 : i32
      %parallel_loop3A_266 = arith.addi %parallel_loop3A_265, %parallel_loop3A_264 : i32
      %parallel_loop3A_267 = arith.index_cast %parallel_loop3A_266 : i32 to index
      %parallel_loop3A_268 = tpu.vector_load %arg6[%parallel_loop3A_267] {strides = array<i32>} : memref<16384xi32, #tpu.memory_space<vmem>>, vector<16xi32>,
      %parallel_loop3A_269 = arith.constant 1 : i32
      %parallel_loop3A_270 = vector.broadcast %parallel_loop3A_269 : i32 to vector<16xi32>
      %parallel_loop3A_271 = arith.addi %parallel_loop3A_268, %parallel_loop3A_270 : vector<16xi32>
      %parallel_loop3A_272 = tpu.vector_load_idx %arg5[%parallel_loop3A_271] : memref<100001xf32, #tpu.memory_space<vmem>>[vector<16xi32>], vector<16xf32>,
      %parallel_loop3A_273 = arith.constant 16 : i32
      %parallel_loop3A_274 = arith.muli %parallel_loop3A_262, %parallel_loop3A_273 : i32
      %parallel_loop3A_275 = arith.constant 0 : i32
      %parallel_loop3A_276 = arith.index_cast %parallel_loop3A_275 : i32 to index
      %parallel_loop3A_277 = arith.index_cast %parallel_loop3A_274 : i32 to index
      %parallel_loop3A_278 = tpu.vector_load %arg7[%parallel_loop3A_276, %parallel_loop3A_277] {strides = array<i32>} : memref<2x4096xf32, #tpu.memory_space<vmem>>, vector<16xf32>,
      tpu.vector_store %arg7[%parallel_loop3A_276, %parallel_loop3A_277], %parallel_loop3A_272 {strides = array<i32>} : memref<2x4096xf32, #tpu.memory_space<vmem>>, vector<16xf32>,
    } {sc.loop_unroll_factor = 8 : i64, sc.parallel_access}
    %dma_start3A_62 = arith.constant 0 : i32
    %dma_start3A_63 = arith.constant 0 : i32
    %dma_start3A_64 = tpu.memref_slice %arg7[%dma_start3A_62, %dma_start3A_63] : memref<2x4096xf32, #tpu.memory_space<vmem>> -> memref<1x4096xf32, #tpu.memory_space<vmem>>
    %dma_start3A_65 = tpu.memref_squeeze %dma_start3A_64 : memref<1x4096xf32, #tpu.memory_space<vmem>> -> memref<4096xf32, #tpu.memory_space<vmem>>
    %dma_start3A_66 = arith.constant 8192 : i32
    %dma_start3A_67 = tpu.memref_slice %arg4[%add3A_4, %dma_start3A_66] : memref<64x16384xf32, #tpu.memory_space<hbm>> -> memref<1x4096xf32, #tpu.memory_space<hbm>>
    %dma_start3A_68 = tpu.memref_squeeze %dma_start3A_67 : memref<1x4096xf32, #tpu.memory_space<hbm>> -> memref<4096xf32, #tpu.memory_space<hbm>>
    %dma_start3A_69 = arith.constant 8192 : i32
    %dma_start3A_70 = tpu.memref_slice %arg4[%add3A_4, %dma_start3A_69] : memref<64x16384xf32, #tpu.memory_space<hbm>> -> memref<1x4096xf32, #tpu.memory_space<hbm>>
    %dma_start3A_71 = tpu.memref_squeeze %dma_start3A_70 : memref<1x4096xf32, #tpu.memory_space<hbm>> -> memref<4096xf32, #tpu.memory_space<hbm>>
    %dma_start3A_72 = arith.constant 0 : i32
    %dma_start3A_73 = tpu.memref_slice %arg7[%dma_start3A_62, %dma_start3A_72] : memref<2x4096xf32, #tpu.memory_space<vmem>> -> memref<1x4096xf32, #tpu.memory_space<vmem>>
    %dma_start3A_74 = tpu.memref_squeeze %dma_start3A_73 : memref<1x4096xf32, #tpu.memory_space<vmem>> -> memref<4096xf32, #tpu.memory_space<vmem>>
    tpu.enqueue_dma source(%dma_start3A_74 : memref<4096xf32, #tpu.memory_space<vmem>>) target(%dma_start3A_71 : memref<4096xf32, #tpu.memory_space<hbm>>) target_semaphore(%arg10 : memref<!tpu.dma_semaphore, #tpu.memory_space<semaphore_mem>>)
    %dma_wait3A_75 = arith.constant 1 : i32
    %dma_wait3A_76 = arith.constant 0 : i32
    %dma_wait3A_77 = tpu.memref_slice %arg7[%dma_wait3A_75, %dma_wait3A_76] : memref<2x4096xf32, #tpu.memory_space<vmem>> -> memref<1x4096xf32, #tpu.memory_space<vmem>>
    %dma_wait3A_78 = tpu.memref_squeeze %dma_wait3A_77 : memref<1x4096xf32, #tpu.memory_space<vmem>> -> memref<4096xf32, #tpu.memory_space<vmem>>
    %dma_wait3A_79 = arith.constant 4096 : i32
    %dma_wait3A_80 = tpu.memref_slice %arg4[%add3A_4, %dma_wait3A_79] : memref<64x16384xf32, #tpu.memory_space<hbm>> -> memref<1x4096xf32, #tpu.memory_space<hbm>>
    %dma_wait3A_81 = tpu.memref_squeeze %dma_wait3A_80 : memref<1x4096xf32, #tpu.memory_space<hbm>> -> memref<4096xf32, #tpu.memory_space<hbm>>
    %dma_wait3A_82 = arith.constant 4096 : i32
    %dma_wait3A_83 = tpu.memref_slice %arg4[%add3A_4, %dma_wait3A_82] : memref<64x16384xf32, #tpu.memory_space<hbm>> -> memref<1x4096xf32, #tpu.memory_space<hbm>>
    %dma_wait3A_84 = tpu.memref_squeeze %dma_wait3A_83 : memref<1x4096xf32, #tpu.memory_space<hbm>> -> memref<4096xf32, #tpu.memory_space<hbm>>
    %dma_wait3A_85 = arith.constant 0 : i32
    %dma_wait3A_86 = tpu.memref_slice %arg7[%dma_wait3A_75, %dma_wait3A_85] : memref<2x4096xf32, #tpu.memory_space<vmem>> -> memref<1x4096xf32, #tpu.memory_space<vmem>>
    %dma_wait3A_87 = tpu.memref_squeeze %dma_wait3A_86 : memref<1x4096xf32, #tpu.memory_space<vmem>> -> memref<4096xf32, #tpu.memory_space<vmem>>
    tpu.wait_dma2 semaphore(%arg10 : memref<!tpu.dma_semaphore, #tpu.memory_space<semaphore_mem>>) src(%dma_wait3A_87 : memref<4096xf32, #tpu.memory_space<vmem>>) dst(%dma_wait3A_84 : memref<4096xf32, #tpu.memory_space<hbm>>)
    %parallel_loop3A_88 = arith.constant 0 : i32
    %parallel_loop3A_89 = arith.constant 256 : i32
    %parallel_loop3A_90 = arith.constant 1 : i32
    scf.for %parallel_loop3A_262 = %parallel_loop3A_88 to %parallel_loop3A_89 step %parallel_loop3A_90  : i32 {
      %parallel_loop3A_263 = arith.constant 16 : i32
      %parallel_loop3A_264 = arith.muli %parallel_loop3A_262, %parallel_loop3A_263 : i32
      %parallel_loop3A_265 = arith.constant 12288 : i32
      %parallel_loop3A_266 = arith.addi %parallel_loop3A_265, %parallel_loop3A_264 : i32
      %parallel_loop3A_267 = arith.index_cast %parallel_loop3A_266 : i32 to index
      %parallel_loop3A_268 = tpu.vector_load %arg6[%parallel_loop3A_267] {strides = array<i32>} : memref<16384xi32, #tpu.memory_space<vmem>>, vector<16xi32>,
      %parallel_loop3A_269 = arith.constant 1 : i32
      %parallel_loop3A_270 = vector.broadcast %parallel_loop3A_269 : i32 to vector<16xi32>
      %parallel_loop3A_271 = arith.addi %parallel_loop3A_268, %parallel_loop3A_270 : vector<16xi32>
      %parallel_loop3A_272 = tpu.vector_load_idx %arg5[%parallel_loop3A_271] : memref<100001xf32, #tpu.memory_space<vmem>>[vector<16xi32>], vector<16xf32>,
      %parallel_loop3A_273 = arith.constant 16 : i32
      %parallel_loop3A_274 = arith.muli %parallel_loop3A_262, %parallel_loop3A_273 : i32
      %parallel_loop3A_275 = arith.constant 1 : i32
      %parallel_loop3A_276 = arith.index_cast %parallel_loop3A_275 : i32 to index
      %parallel_loop3A_277 = arith.index_cast %parallel_loop3A_274 : i32 to index
      %parallel_loop3A_278 = tpu.vector_load %arg7[%parallel_loop3A_276, %parallel_loop3A_277] {strides = array<i32>} : memref<2x4096xf32, #tpu.memory_space<vmem>>, vector<16xf32>,
      tpu.vector_store %arg7[%parallel_loop3A_276, %parallel_loop3A_277], %parallel_loop3A_272 {strides = array<i32>} : memref<2x4096xf32, #tpu.memory_space<vmem>>, vector<16xf32>,
    } {sc.loop_unroll_factor = 8 : i64, sc.parallel_access}
    %dma_start3A_91 = arith.constant 1 : i32
    %dma_start3A_92 = arith.constant 0 : i32
    %dma_start3A_93 = tpu.memref_slice %arg7[%dma_start3A_91, %dma_start3A_92] : memref<2x4096xf32, #tpu.memory_space<vmem>> -> memref<1x4096xf32, #tpu.memory_space<vmem>>
    %dma_start3A_94 = tpu.memref_squeeze %dma_start3A_93 : memref<1x4096xf32, #tpu.memory_space<vmem>> -> memref<4096xf32, #tpu.memory_space<vmem>>
    %dma_start3A_95 = arith.constant 12288 : i32
    %dma_start3A_96 = tpu.memref_slice %arg4[%add3A_4, %dma_start3A_95] : memref<64x16384xf32, #tpu.memory_space<hbm>> -> memref<1x4096xf32, #tpu.memory_space<hbm>>
    %dma_start3A_97 = tpu.memref_squeeze %dma_start3A_96 : memref<1x4096xf32, #tpu.memory_space<hbm>> -> memref<4096xf32, #tpu.memory_space<hbm>>
    %dma_start3A_98 = arith.constant 12288 : i32
    %dma_start3A_99 = tpu.memref_slice %arg4[%add3A_4, %dma_start3A_98] : memref<64x16384xf32, #tpu.memory_space<hbm>> -> memref<1x4096xf32, #tpu.memory_space<hbm>>
    %dma_start3A_100 = tpu.memref_squeeze %dma_start3A_99 : memref<1x4096xf32, #tpu.memory_space<hbm>> -> memref<4096xf32, #tpu.memory_space<hbm>>
    %dma_start3A_101 = arith.constant 0 : i32
    %dma_start3A_102 = tpu.memref_slice %arg7[%dma_start3A_91, %dma_start3A_101] : memref<2x4096xf32, #tpu.memory_space<vmem>> -> memref<1x4096xf32, #tpu.memory_space<vmem>>
    %dma_start3A_103 = tpu.memref_squeeze %dma_start3A_102 : memref<1x4096xf32, #tpu.memory_space<vmem>> -> memref<4096xf32, #tpu.memory_space<vmem>>
    tpu.enqueue_dma source(%dma_start3A_103 : memref<4096xf32, #tpu.memory_space<vmem>>) target(%dma_start3A_100 : memref<4096xf32, #tpu.memory_space<hbm>>) target_semaphore(%arg10 : memref<!tpu.dma_semaphore, #tpu.memory_space<semaphore_mem>>)
    %dma_wait3A_104 = arith.constant 0 : i32
    %dma_wait3A_105 = arith.constant 0 : i32
    %dma_wait3A_106 = tpu.memref_slice %arg7[%dma_wait3A_104, %dma_wait3A_105] : memref<2x4096xf32, #tpu.memory_space<vmem>> -> memref<1x4096xf32, #tpu.memory_space<vmem>>
    %dma_wait3A_107 = tpu.memref_squeeze %dma_wait3A_106 : memref<1x4096xf32, #tpu.memory_space<vmem>> -> memref<4096xf32, #tpu.memory_space<vmem>>
    %dma_wait3A_108 = arith.constant 8192 : i32
    %dma_wait3A_109 = tpu.memref_slice %arg4[%add3A_4, %dma_wait3A_108] : memref<64x16384xf32, #tpu.memory_space<hbm>> -> memref<1x4096xf32, #tpu.memory_space<hbm>>
    %dma_wait3A_110 = tpu.memref_squeeze %dma_wait3A_109 : memref<1x4096xf32, #tpu.memory_space<hbm>> -> memref<4096xf32, #tpu.memory_space<hbm>>
    %dma_wait3A_111 = arith.constant 8192 : i32
    %dma_wait3A_112 = tpu.memref_slice %arg4[%add3A_4, %dma_wait3A_111] : memref<64x16384xf32, #tpu.memory_space<hbm>> -> memref<1x4096xf32, #tpu.memory_space<hbm>>
    %dma_wait3A_113 = tpu.memref_squeeze %dma_wait3A_112 : memref<1x4096xf32, #tpu.memory_space<hbm>> -> memref<4096xf32, #tpu.memory_space<hbm>>
    %dma_wait3A_114 = arith.constant 0 : i32
    %dma_wait3A_115 = tpu.memref_slice %arg7[%dma_wait3A_104, %dma_wait3A_114] : memref<2x4096xf32, #tpu.memory_space<vmem>> -> memref<1x4096xf32, #tpu.memory_space<vmem>>
    %dma_wait3A_116 = tpu.memref_squeeze %dma_wait3A_115 : memref<1x4096xf32, #tpu.memory_space<vmem>> -> memref<4096xf32, #tpu.memory_space<vmem>>
    tpu.wait_dma2 semaphore(%arg10 : memref<!tpu.dma_semaphore, #tpu.memory_space<semaphore_mem>>) src(%dma_wait3A_116 : memref<4096xf32, #tpu.memory_space<vmem>>) dst(%dma_wait3A_113 : memref<4096xf32, #tpu.memory_space<hbm>>)
    %dma_wait3A_117 = arith.constant 1 : i32
    %dma_wait3A_118 = arith.constant 0 : i32
    %dma_wait3A_119 = tpu.memref_slice %arg7[%dma_wait3A_117, %dma_wait3A_118] : memref<2x4096xf32, #tpu.memory_space<vmem>> -> memref<1x4096xf32, #tpu.memory_space<vmem>>
    %dma_wait3A_120 = tpu.memref_squeeze %dma_wait3A_119 : memref<1x4096xf32, #tpu.memory_space<vmem>> -> memref<4096xf32, #tpu.memory_space<vmem>>
    %dma_wait3A_121 = arith.constant 12288 : i32
    %dma_wait3A_122 = tpu.memref_slice %arg4[%add3A_4, %dma_wait3A_121] : memref<64x16384xf32, #tpu.memory_space<hbm>> -> memref<1x4096xf32, #tpu.memory_space<hbm>>
    %dma_wait3A_123 = tpu.memref_squeeze %dma_wait3A_122 : memref<1x4096xf32, #tpu.memory_space<hbm>> -> memref<4096xf32, #tpu.memory_space<hbm>>
    %dma_wait3A_124 = arith.constant 12288 : i32
    %dma_wait3A_125 = tpu.memref_slice %arg4[%add3A_4, %dma_wait3A_124] : memref<64x16384xf32, #tpu.memory_space<hbm>> -> memref<1x4096xf32, #tpu.memory_space<hbm>>
    %dma_wait3A_126 = tpu.memref_squeeze %dma_wait3A_125 : memref<1x4096xf32, #tpu.memory_space<hbm>> -> memref<4096xf32, #tpu.memory_space<hbm>>
    %dma_wait3A_127 = arith.constant 0 : i32
    %dma_wait3A_128 = tpu.memref_slice %arg7[%dma_wait3A_117, %dma_wait3A_127] : memref<2x4096xf32, #tpu.memory_space<vmem>> -> memref<1x4096xf32, #tpu.memory_space<vmem>>
    %dma_wait3A_129 = tpu.memref_squeeze %dma_wait3A_128 : memref<1x4096xf32, #tpu.memory_space<vmem>> -> memref<4096xf32, #tpu.memory_space<vmem>>
    tpu.wait_dma2 semaphore(%arg10 : memref<!tpu.dma_semaphore, #tpu.memory_space<semaphore_mem>>) src(%dma_wait3A_129 : memref<4096xf32, #tpu.memory_space<vmem>>) dst(%dma_wait3A_126 : memref<4096xf32, #tpu.memory_space<hbm>>)
    %mul3A_130 = arith.constant 2 : i32
    %mul3A_131 = arith.muli %add3A, %mul3A_130 : i32
    %add3A_132 = arith.constant 1 : i32
    %add3A_133 = arith.addi %mul3A_131, %add3A_132 : i32
    %dma_start3A_134 = arith.constant 0 : i32
    %dma_start3A_135 = tpu.memref_slice %arg3[%add3A_133, %dma_start3A_134] : memref<64x100001xf32, #tpu.memory_space<hbm>> -> memref<1x100001xf32, #tpu.memory_space<hbm>>
    %dma_start3A_136 = tpu.memref_squeeze %dma_start3A_135 : memref<1x100001xf32, #tpu.memory_space<hbm>> -> memref<100001xf32, #tpu.memory_space<hbm>>
    %dma_start3A_137 = arith.constant 0 : i32
    %dma_start3A_138 = tpu.memref_slice %arg3[%add3A_133, %dma_start3A_137] : memref<64x100001xf32, #tpu.memory_space<hbm>> -> memref<1x100001xf32, #tpu.memory_space<hbm>>
    %dma_start3A_139 = tpu.memref_squeeze %dma_start3A_138 : memref<1x100001xf32, #tpu.memory_space<hbm>> -> memref<100001xf32, #tpu.memory_space<hbm>>
    tpu.enqueue_dma source(%dma_start3A_139 : memref<100001xf32, #tpu.memory_space<hbm>>) target(%arg5 : memref<100001xf32, #tpu.memory_space<vmem>>) target_semaphore(%arg8 : memref<!tpu.dma_semaphore, #tpu.memory_space<semaphore_mem>>)
    %dma_wait3A_140 = arith.constant 0 : i32
    %dma_wait3A_141 = tpu.memref_slice %arg3[%add3A_133, %dma_wait3A_140] : memref<64x100001xf32, #tpu.memory_space<hbm>> -> memref<1x100001xf32, #tpu.memory_space<hbm>>
    %dma_wait3A_142 = tpu.memref_squeeze %dma_wait3A_141 : memref<1x100001xf32, #tpu.memory_space<hbm>> -> memref<100001xf32, #tpu.memory_space<hbm>>
    %dma_wait3A_143 = arith.constant 0 : i32
    %dma_wait3A_144 = tpu.memref_slice %arg3[%add3A_133, %dma_wait3A_143] : memref<64x100001xf32, #tpu.memory_space<hbm>> -> memref<1x100001xf32, #tpu.memory_space<hbm>>
    %dma_wait3A_145 = tpu.memref_squeeze %dma_wait3A_144 : memref<1x100001xf32, #tpu.memory_space<hbm>> -> memref<100001xf32, #tpu.memory_space<hbm>>
    tpu.wait_dma2 semaphore(%arg8 : memref<!tpu.dma_semaphore, #tpu.memory_space<semaphore_mem>>) src(%dma_wait3A_145 : memref<100001xf32, #tpu.memory_space<hbm>>) dst(%arg5 : memref<100001xf32, #tpu.memory_space<vmem>>)
    %parallel_loop3A_146 = arith.constant 0 : i32
    %parallel_loop3A_147 = arith.constant 256 : i32
    %parallel_loop3A_148 = arith.constant 1 : i32
    scf.for %parallel_loop3A_262 = %parallel_loop3A_146 to %parallel_loop3A_147 step %parallel_loop3A_148  : i32 {
      %parallel_loop3A_263 = arith.constant 16 : i32
      %parallel_loop3A_264 = arith.muli %parallel_loop3A_262, %parallel_loop3A_263 : i32
      %parallel_loop3A_265 = arith.constant 0 : i32
      %parallel_loop3A_266 = arith.addi %parallel_loop3A_265, %parallel_loop3A_264 : i32
      %parallel_loop3A_267 = arith.index_cast %parallel_loop3A_266 : i32 to index
      %parallel_loop3A_268 = tpu.vector_load %arg6[%parallel_loop3A_267] {strides = array<i32>} : memref<16384xi32, #tpu.memory_space<vmem>>, vector<16xi32>,
      %parallel_loop3A_269 = arith.constant 1 : i32
      %parallel_loop3A_270 = vector.broadcast %parallel_loop3A_269 : i32 to vector<16xi32>
      %parallel_loop3A_271 = arith.addi %parallel_loop3A_268, %parallel_loop3A_270 : vector<16xi32>
      %parallel_loop3A_272 = tpu.vector_load_idx %arg5[%parallel_loop3A_271] : memref<100001xf32, #tpu.memory_space<vmem>>[vector<16xi32>], vector<16xf32>,
      %parallel_loop3A_273 = arith.constant 16 : i32
      %parallel_loop3A_274 = arith.muli %parallel_loop3A_262, %parallel_loop3A_273 : i32
      %parallel_loop3A_275 = arith.constant 0 : i32
      %parallel_loop3A_276 = arith.index_cast %parallel_loop3A_275 : i32 to index
      %parallel_loop3A_277 = arith.index_cast %parallel_loop3A_274 : i32 to index
      %parallel_loop3A_278 = tpu.vector_load %arg7[%parallel_loop3A_276, %parallel_loop3A_277] {strides = array<i32>} : memref<2x4096xf32, #tpu.memory_space<vmem>>, vector<16xf32>,
      tpu.vector_store %arg7[%parallel_loop3A_276, %parallel_loop3A_277], %parallel_loop3A_272 {strides = array<i32>} : memref<2x4096xf32, #tpu.memory_space<vmem>>, vector<16xf32>,
    } {sc.loop_unroll_factor = 8 : i64, sc.parallel_access}
    %dma_start3A_149 = arith.constant 0 : i32
    %dma_start3A_150 = arith.constant 0 : i32
    %dma_start3A_151 = tpu.memref_slice %arg7[%dma_start3A_149, %dma_start3A_150] : memref<2x4096xf32, #tpu.memory_space<vmem>> -> memref<1x4096xf32, #tpu.memory_space<vmem>>
    %dma_start3A_152 = tpu.memref_squeeze %dma_start3A_151 : memref<1x4096xf32, #tpu.memory_space<vmem>> -> memref<4096xf32, #tpu.memory_space<vmem>>
    %dma_start3A_153 = arith.constant 0 : i32
    %dma_start3A_154 = tpu.memref_slice %arg4[%add3A_133, %dma_start3A_153] : memref<64x16384xf32, #tpu.memory_space<hbm>> -> memref<1x4096xf32, #tpu.memory_space<hbm>>
    %dma_start3A_155 = tpu.memref_squeeze %dma_start3A_154 : memref<1x4096xf32, #tpu.memory_space<hbm>> -> memref<4096xf32, #tpu.memory_space<hbm>>
    %dma_start3A_156 = arith.constant 0 : i32
    %dma_start3A_157 = tpu.memref_slice %arg4[%add3A_133, %dma_start3A_156] : memref<64x16384xf32, #tpu.memory_space<hbm>> -> memref<1x4096xf32, #tpu.memory_space<hbm>>
    %dma_start3A_158 = tpu.memref_squeeze %dma_start3A_157 : memref<1x4096xf32, #tpu.memory_space<hbm>> -> memref<4096xf32, #tpu.memory_space<hbm>>
    %dma_start3A_159 = arith.constant 0 : i32
    %dma_start3A_160 = tpu.memref_slice %arg7[%dma_start3A_149, %dma_start3A_159] : memref<2x4096xf32, #tpu.memory_space<vmem>> -> memref<1x4096xf32, #tpu.memory_space<vmem>>
    %dma_start3A_161 = tpu.memref_squeeze %dma_start3A_160 : memref<1x4096xf32, #tpu.memory_space<vmem>> -> memref<4096xf32, #tpu.memory_space<vmem>>
    tpu.enqueue_dma source(%dma_start3A_161 : memref<4096xf32, #tpu.memory_space<vmem>>) target(%dma_start3A_158 : memref<4096xf32, #tpu.memory_space<hbm>>) target_semaphore(%arg10 : memref<!tpu.dma_semaphore, #tpu.memory_space<semaphore_mem>>)
    %parallel_loop3A_162 = arith.constant 0 : i32
    %parallel_loop3A_163 = arith.constant 256 : i32
    %parallel_loop3A_164 = arith.constant 1 : i32
    scf.for %parallel_loop3A_262 = %parallel_loop3A_162 to %parallel_loop3A_163 step %parallel_loop3A_164  : i32 {
      %parallel_loop3A_263 = arith.constant 16 : i32
      %parallel_loop3A_264 = arith.muli %parallel_loop3A_262, %parallel_loop3A_263 : i32
      %parallel_loop3A_265 = arith.constant 4096 : i32
      %parallel_loop3A_266 = arith.addi %parallel_loop3A_265, %parallel_loop3A_264 : i32
      %parallel_loop3A_267 = arith.index_cast %parallel_loop3A_266 : i32 to index
      %parallel_loop3A_268 = tpu.vector_load %arg6[%parallel_loop3A_267] {strides = array<i32>} : memref<16384xi32, #tpu.memory_space<vmem>>, vector<16xi32>,
      %parallel_loop3A_269 = arith.constant 1 : i32
      %parallel_loop3A_270 = vector.broadcast %parallel_loop3A_269 : i32 to vector<16xi32>
      %parallel_loop3A_271 = arith.addi %parallel_loop3A_268, %parallel_loop3A_270 : vector<16xi32>
      %parallel_loop3A_272 = tpu.vector_load_idx %arg5[%parallel_loop3A_271] : memref<100001xf32, #tpu.memory_space<vmem>>[vector<16xi32>], vector<16xf32>,
      %parallel_loop3A_273 = arith.constant 16 : i32
      %parallel_loop3A_274 = arith.muli %parallel_loop3A_262, %parallel_loop3A_273 : i32
      %parallel_loop3A_275 = arith.constant 1 : i32
      %parallel_loop3A_276 = arith.index_cast %parallel_loop3A_275 : i32 to index
      %parallel_loop3A_277 = arith.index_cast %parallel_loop3A_274 : i32 to index
      %parallel_loop3A_278 = tpu.vector_load %arg7[%parallel_loop3A_276, %parallel_loop3A_277] {strides = array<i32>} : memref<2x4096xf32, #tpu.memory_space<vmem>>, vector<16xf32>,
      tpu.vector_store %arg7[%parallel_loop3A_276, %parallel_loop3A_277], %parallel_loop3A_272 {strides = array<i32>} : memref<2x4096xf32, #tpu.memory_space<vmem>>, vector<16xf32>,
    } {sc.loop_unroll_factor = 8 : i64, sc.parallel_access}
    %dma_start3A_165 = arith.constant 1 : i32
    %dma_start3A_166 = arith.constant 0 : i32
    %dma_start3A_167 = tpu.memref_slice %arg7[%dma_start3A_165, %dma_start3A_166] : memref<2x4096xf32, #tpu.memory_space<vmem>> -> memref<1x4096xf32, #tpu.memory_space<vmem>>
    %dma_start3A_168 = tpu.memref_squeeze %dma_start3A_167 : memref<1x4096xf32, #tpu.memory_space<vmem>> -> memref<4096xf32, #tpu.memory_space<vmem>>
    %dma_start3A_169 = arith.constant 4096 : i32
    %dma_start3A_170 = tpu.memref_slice %arg4[%add3A_133, %dma_start3A_169] : memref<64x16384xf32, #tpu.memory_space<hbm>> -> memref<1x4096xf32, #tpu.memory_space<hbm>>
    %dma_start3A_171 = tpu.memref_squeeze %dma_start3A_170 : memref<1x4096xf32, #tpu.memory_space<hbm>> -> memref<4096xf32, #tpu.memory_space<hbm>>
    %dma_start3A_172 = arith.constant 4096 : i32
    %dma_start3A_173 = tpu.memref_slice %arg4[%add3A_133, %dma_start3A_172] : memref<64x16384xf32, #tpu.memory_space<hbm>> -> memref<1x4096xf32, #tpu.memory_space<hbm>>
    %dma_start3A_174 = tpu.memref_squeeze %dma_start3A_173 : memref<1x4096xf32, #tpu.memory_space<hbm>> -> memref<4096xf32, #tpu.memory_space<hbm>>
    %dma_start3A_175 = arith.constant 0 : i32
    %dma_start3A_176 = tpu.memref_slice %arg7[%dma_start3A_165, %dma_start3A_175] : memref<2x4096xf32, #tpu.memory_space<vmem>> -> memref<1x4096xf32, #tpu.memory_space<vmem>>
    %dma_start3A_177 = tpu.memref_squeeze %dma_start3A_176 : memref<1x4096xf32, #tpu.memory_space<vmem>> -> memref<4096xf32, #tpu.memory_space<vmem>>
    tpu.enqueue_dma source(%dma_start3A_177 : memref<4096xf32, #tpu.memory_space<vmem>>) target(%dma_start3A_174 : memref<4096xf32, #tpu.memory_space<hbm>>) target_semaphore(%arg10 : memref<!tpu.dma_semaphore, #tpu.memory_space<semaphore_mem>>)
    %dma_wait3A_178 = arith.constant 0 : i32
    %dma_wait3A_179 = arith.constant 0 : i32
    %dma_wait3A_180 = tpu.memref_slice %arg7[%dma_wait3A_178, %dma_wait3A_179] : memref<2x4096xf32, #tpu.memory_space<vmem>> -> memref<1x4096xf32, #tpu.memory_space<vmem>>
    %dma_wait3A_181 = tpu.memref_squeeze %dma_wait3A_180 : memref<1x4096xf32, #tpu.memory_space<vmem>> -> memref<4096xf32, #tpu.memory_space<vmem>>
    %dma_wait3A_182 = arith.constant 0 : i32
    %dma_wait3A_183 = tpu.memref_slice %arg4[%add3A_133, %dma_wait3A_182] : memref<64x16384xf32, #tpu.memory_space<hbm>> -> memref<1x4096xf32, #tpu.memory_space<hbm>>
    %dma_wait3A_184 = tpu.memref_squeeze %dma_wait3A_183 : memref<1x4096xf32, #tpu.memory_space<hbm>> -> memref<4096xf32, #tpu.memory_space<hbm>>
    %dma_wait3A_185 = arith.constant 0 : i32
    %dma_wait3A_186 = tpu.memref_slice %arg4[%add3A_133, %dma_wait3A_185] : memref<64x16384xf32, #tpu.memory_space<hbm>> -> memref<1x4096xf32, #tpu.memory_space<hbm>>
    %dma_wait3A_187 = tpu.memref_squeeze %dma_wait3A_186 : memref<1x4096xf32, #tpu.memory_space<hbm>> -> memref<4096xf32, #tpu.memory_space<hbm>>
    %dma_wait3A_188 = arith.constant 0 : i32
    %dma_wait3A_189 = tpu.memref_slice %arg7[%dma_wait3A_178, %dma_wait3A_188] : memref<2x4096xf32, #tpu.memory_space<vmem>> -> memref<1x4096xf32, #tpu.memory_space<vmem>>
    %dma_wait3A_190 = tpu.memref_squeeze %dma_wait3A_189 : memref<1x4096xf32, #tpu.memory_space<vmem>> -> memref<4096xf32, #tpu.memory_space<vmem>>
    tpu.wait_dma2 semaphore(%arg10 : memref<!tpu.dma_semaphore, #tpu.memory_space<semaphore_mem>>) src(%dma_wait3A_190 : memref<4096xf32, #tpu.memory_space<vmem>>) dst(%dma_wait3A_187 : memref<4096xf32, #tpu.memory_space<hbm>>)
    %parallel_loop3A_191 = arith.constant 0 : i32
    %parallel_loop3A_192 = arith.constant 256 : i32
    %parallel_loop3A_193 = arith.constant 1 : i32
    scf.for %parallel_loop3A_262 = %parallel_loop3A_191 to %parallel_loop3A_192 step %parallel_loop3A_193  : i32 {
      %parallel_loop3A_263 = arith.constant 16 : i32
      %parallel_loop3A_264 = arith.muli %parallel_loop3A_262, %parallel_loop3A_263 : i32
      %parallel_loop3A_265 = arith.constant 8192 : i32
      %parallel_loop3A_266 = arith.addi %parallel_loop3A_265, %parallel_loop3A_264 : i32
      %parallel_loop3A_267 = arith.index_cast %parallel_loop3A_266 : i32 to index
      %parallel_loop3A_268 = tpu.vector_load %arg6[%parallel_loop3A_267] {strides = array<i32>} : memref<16384xi32, #tpu.memory_space<vmem>>, vector<16xi32>,
      %parallel_loop3A_269 = arith.constant 1 : i32
      %parallel_loop3A_270 = vector.broadcast %parallel_loop3A_269 : i32 to vector<16xi32>
      %parallel_loop3A_271 = arith.addi %parallel_loop3A_268, %parallel_loop3A_270 : vector<16xi32>
      %parallel_loop3A_272 = tpu.vector_load_idx %arg5[%parallel_loop3A_271] : memref<100001xf32, #tpu.memory_space<vmem>>[vector<16xi32>], vector<16xf32>,
      %parallel_loop3A_273 = arith.constant 16 : i32
      %parallel_loop3A_274 = arith.muli %parallel_loop3A_262, %parallel_loop3A_273 : i32
      %parallel_loop3A_275 = arith.constant 0 : i32
      %parallel_loop3A_276 = arith.index_cast %parallel_loop3A_275 : i32 to index
      %parallel_loop3A_277 = arith.index_cast %parallel_loop3A_274 : i32 to index
      %parallel_loop3A_278 = tpu.vector_load %arg7[%parallel_loop3A_276, %parallel_loop3A_277] {strides = array<i32>} : memref<2x4096xf32, #tpu.memory_space<vmem>>, vector<16xf32>,
      tpu.vector_store %arg7[%parallel_loop3A_276, %parallel_loop3A_277], %parallel_loop3A_272 {strides = array<i32>} : memref<2x4096xf32, #tpu.memory_space<vmem>>, vector<16xf32>,
    } {sc.loop_unroll_factor = 8 : i64, sc.parallel_access}
    %dma_start3A_194 = arith.constant 0 : i32
    %dma_start3A_195 = arith.constant 0 : i32
    %dma_start3A_196 = tpu.memref_slice %arg7[%dma_start3A_194, %dma_start3A_195] : memref<2x4096xf32, #tpu.memory_space<vmem>> -> memref<1x4096xf32, #tpu.memory_space<vmem>>
    %dma_start3A_197 = tpu.memref_squeeze %dma_start3A_196 : memref<1x4096xf32, #tpu.memory_space<vmem>> -> memref<4096xf32, #tpu.memory_space<vmem>>
    %dma_start3A_198 = arith.constant 8192 : i32
    %dma_start3A_199 = tpu.memref_slice %arg4[%add3A_133, %dma_start3A_198] : memref<64x16384xf32, #tpu.memory_space<hbm>> -> memref<1x4096xf32, #tpu.memory_space<hbm>>
    %dma_start3A_200 = tpu.memref_squeeze %dma_start3A_199 : memref<1x4096xf32, #tpu.memory_space<hbm>> -> memref<4096xf32, #tpu.memory_space<hbm>>
    %dma_start3A_201 = arith.constant 8192 : i32
    %dma_start3A_202 = tpu.memref_slice %arg4[%add3A_133, %dma_start3A_201] : memref<64x16384xf32, #tpu.memory_space<hbm>> -> memref<1x4096xf32, #tpu.memory_space<hbm>>
    %dma_start3A_203 = tpu.memref_squeeze %dma_start3A_202 : memref<1x4096xf32, #tpu.memory_space<hbm>> -> memref<4096xf32, #tpu.memory_space<hbm>>
    %dma_start3A_204 = arith.constant 0 : i32
    %dma_start3A_205 = tpu.memref_slice %arg7[%dma_start3A_194, %dma_start3A_204] : memref<2x4096xf32, #tpu.memory_space<vmem>> -> memref<1x4096xf32, #tpu.memory_space<vmem>>
    %dma_start3A_206 = tpu.memref_squeeze %dma_start3A_205 : memref<1x4096xf32, #tpu.memory_space<vmem>> -> memref<4096xf32, #tpu.memory_space<vmem>>
    tpu.enqueue_dma source(%dma_start3A_206 : memref<4096xf32, #tpu.memory_space<vmem>>) target(%dma_start3A_203 : memref<4096xf32, #tpu.memory_space<hbm>>) target_semaphore(%arg10 : memref<!tpu.dma_semaphore, #tpu.memory_space<semaphore_mem>>)
    %dma_wait3A_207 = arith.constant 1 : i32
    %dma_wait3A_208 = arith.constant 0 : i32
    %dma_wait3A_209 = tpu.memref_slice %arg7[%dma_wait3A_207, %dma_wait3A_208] : memref<2x4096xf32, #tpu.memory_space<vmem>> -> memref<1x4096xf32, #tpu.memory_space<vmem>>
    %dma_wait3A_210 = tpu.memref_squeeze %dma_wait3A_209 : memref<1x4096xf32, #tpu.memory_space<vmem>> -> memref<4096xf32, #tpu.memory_space<vmem>>
    %dma_wait3A_211 = arith.constant 4096 : i32
    %dma_wait3A_212 = tpu.memref_slice %arg4[%add3A_133, %dma_wait3A_211] : memref<64x16384xf32, #tpu.memory_space<hbm>> -> memref<1x4096xf32, #tpu.memory_space<hbm>>
    %dma_wait3A_213 = tpu.memref_squeeze %dma_wait3A_212 : memref<1x4096xf32, #tpu.memory_space<hbm>> -> memref<4096xf32, #tpu.memory_space<hbm>>
    %dma_wait3A_214 = arith.constant 4096 : i32
    %dma_wait3A_215 = tpu.memref_slice %arg4[%add3A_133, %dma_wait3A_214] : memref<64x16384xf32, #tpu.memory_space<hbm>> -> memref<1x4096xf32, #tpu.memory_space<hbm>>
    %dma_wait3A_216 = tpu.memref_squeeze %dma_wait3A_215 : memref<1x4096xf32, #tpu.memory_space<hbm>> -> memref<4096xf32, #tpu.memory_space<hbm>>
    %dma_wait3A_217 = arith.constant 0 : i32
    %dma_wait3A_218 = tpu.memref_slice %arg7[%dma_wait3A_207, %dma_wait3A_217] : memref<2x4096xf32, #tpu.memory_space<vmem>> -> memref<1x4096xf32, #tpu.memory_space<vmem>>
    %dma_wait3A_219 = tpu.memref_squeeze %dma_wait3A_218 : memref<1x4096xf32, #tpu.memory_space<vmem>> -> memref<4096xf32, #tpu.memory_space<vmem>>
    tpu.wait_dma2 semaphore(%arg10 : memref<!tpu.dma_semaphore, #tpu.memory_space<semaphore_mem>>) src(%dma_wait3A_219 : memref<4096xf32, #tpu.memory_space<vmem>>) dst(%dma_wait3A_216 : memref<4096xf32, #tpu.memory_space<hbm>>)
    %parallel_loop3A_220 = arith.constant 0 : i32
    %parallel_loop3A_221 = arith.constant 256 : i32
    %parallel_loop3A_222 = arith.constant 1 : i32
    scf.for %parallel_loop3A_262 = %parallel_loop3A_220 to %parallel_loop3A_221 step %parallel_loop3A_222  : i32 {
      %parallel_loop3A_263 = arith.constant 16 : i32
      %parallel_loop3A_264 = arith.muli %parallel_loop3A_262, %parallel_loop3A_263 : i32
      %parallel_loop3A_265 = arith.constant 12288 : i32
      %parallel_loop3A_266 = arith.addi %parallel_loop3A_265, %parallel_loop3A_264 : i32
      %parallel_loop3A_267 = arith.index_cast %parallel_loop3A_266 : i32 to index
      %parallel_loop3A_268 = tpu.vector_load %arg6[%parallel_loop3A_267] {strides = array<i32>} : memref<16384xi32, #tpu.memory_space<vmem>>, vector<16xi32>,
      %parallel_loop3A_269 = arith.constant 1 : i32
      %parallel_loop3A_270 = vector.broadcast %parallel_loop3A_269 : i32 to vector<16xi32>
      %parallel_loop3A_271 = arith.addi %parallel_loop3A_268, %parallel_loop3A_270 : vector<16xi32>
      %parallel_loop3A_272 = tpu.vector_load_idx %arg5[%parallel_loop3A_271] : memref<100001xf32, #tpu.memory_space<vmem>>[vector<16xi32>], vector<16xf32>,
      %parallel_loop3A_273 = arith.constant 16 : i32
      %parallel_loop3A_274 = arith.muli %parallel_loop3A_262, %parallel_loop3A_273 : i32
      %parallel_loop3A_275 = arith.constant 1 : i32
      %parallel_loop3A_276 = arith.index_cast %parallel_loop3A_275 : i32 to index
      %parallel_loop3A_277 = arith.index_cast %parallel_loop3A_274 : i32 to index
      %parallel_loop3A_278 = tpu.vector_load %arg7[%parallel_loop3A_276, %parallel_loop3A_277] {strides = array<i32>} : memref<2x4096xf32, #tpu.memory_space<vmem>>, vector<16xf32>,
      tpu.vector_store %arg7[%parallel_loop3A_276, %parallel_loop3A_277], %parallel_loop3A_272 {strides = array<i32>} : memref<2x4096xf32, #tpu.memory_space<vmem>>, vector<16xf32>,
    } {sc.loop_unroll_factor = 8 : i64, sc.parallel_access}
    %dma_start3A_223 = arith.constant 1 : i32
    %dma_start3A_224 = arith.constant 0 : i32
    %dma_start3A_225 = tpu.memref_slice %arg7[%dma_start3A_223, %dma_start3A_224] : memref<2x4096xf32, #tpu.memory_space<vmem>> -> memref<1x4096xf32, #tpu.memory_space<vmem>>
    %dma_start3A_226 = tpu.memref_squeeze %dma_start3A_225 : memref<1x4096xf32, #tpu.memory_space<vmem>> -> memref<4096xf32, #tpu.memory_space<vmem>>
    %dma_start3A_227 = arith.constant 12288 : i32
    %dma_start3A_228 = tpu.memref_slice %arg4[%add3A_133, %dma_start3A_227] : memref<64x16384xf32, #tpu.memory_space<hbm>> -> memref<1x4096xf32, #tpu.memory_space<hbm>>
    %dma_start3A_229 = tpu.memref_squeeze %dma_start3A_228 : memref<1x4096xf32, #tpu.memory_space<hbm>> -> memref<4096xf32, #tpu.memory_space<hbm>>
    %dma_start3A_230 = arith.constant 12288 : i32
    %dma_start3A_231 = tpu.memref_slice %arg4[%add3A_133, %dma_start3A_230] : memref<64x16384xf32, #tpu.memory_space<hbm>> -> memref<1x4096xf32, #tpu.memory_space<hbm>>
    %dma_start3A_232 = tpu.memref_squeeze %dma_start3A_231 : memref<1x4096xf32, #tpu.memory_space<hbm>> -> memref<4096xf32, #tpu.memory_space<hbm>>
    %dma_start3A_233 = arith.constant 0 : i32
    %dma_start3A_234 = tpu.memref_slice %arg7[%dma_start3A_223, %dma_start3A_233] : memref<2x4096xf32, #tpu.memory_space<vmem>> -> memref<1x4096xf32, #tpu.memory_space<vmem>>
    %dma_start3A_235 = tpu.memref_squeeze %dma_start3A_234 : memref<1x4096xf32, #tpu.memory_space<vmem>> -> memref<4096xf32, #tpu.memory_space<vmem>>
    tpu.enqueue_dma source(%dma_start3A_235 : memref<4096xf32, #tpu.memory_space<vmem>>) target(%dma_start3A_232 : memref<4096xf32, #tpu.memory_space<hbm>>) target_semaphore(%arg10 : memref<!tpu.dma_semaphore, #tpu.memory_space<semaphore_mem>>)
    %dma_wait3A_236 = arith.constant 0 : i32
    %dma_wait3A_237 = arith.constant 0 : i32
    %dma_wait3A_238 = tpu.memref_slice %arg7[%dma_wait3A_236, %dma_wait3A_237] : memref<2x4096xf32, #tpu.memory_space<vmem>> -> memref<1x4096xf32, #tpu.memory_space<vmem>>
    %dma_wait3A_239 = tpu.memref_squeeze %dma_wait3A_238 : memref<1x4096xf32, #tpu.memory_space<vmem>> -> memref<4096xf32, #tpu.memory_space<vmem>>
    %dma_wait3A_240 = arith.constant 8192 : i32
    %dma_wait3A_241 = tpu.memref_slice %arg4[%add3A_133, %dma_wait3A_240] : memref<64x16384xf32, #tpu.memory_space<hbm>> -> memref<1x4096xf32, #tpu.memory_space<hbm>>
    %dma_wait3A_242 = tpu.memref_squeeze %dma_wait3A_241 : memref<1x4096xf32, #tpu.memory_space<hbm>> -> memref<4096xf32, #tpu.memory_space<hbm>>
    %dma_wait3A_243 = arith.constant 8192 : i32
    %dma_wait3A_244 = tpu.memref_slice %arg4[%add3A_133, %dma_wait3A_243] : memref<64x16384xf32, #tpu.memory_space<hbm>> -> memref<1x4096xf32, #tpu.memory_space<hbm>>
    %dma_wait3A_245 = tpu.memref_squeeze %dma_wait3A_244 : memref<1x4096xf32, #tpu.memory_space<hbm>> -> memref<4096xf32, #tpu.memory_space<hbm>>
    %dma_wait3A_246 = arith.constant 0 : i32
    %dma_wait3A_247 = tpu.memref_slice %arg7[%dma_wait3A_236, %dma_wait3A_246] : memref<2x4096xf32, #tpu.memory_space<vmem>> -> memref<1x4096xf32, #tpu.memory_space<vmem>>
    %dma_wait3A_248 = tpu.memref_squeeze %dma_wait3A_247 : memref<1x4096xf32, #tpu.memory_space<vmem>> -> memref<4096xf32, #tpu.memory_space<vmem>>
    tpu.wait_dma2 semaphore(%arg10 : memref<!tpu.dma_semaphore, #tpu.memory_space<semaphore_mem>>) src(%dma_wait3A_248 : memref<4096xf32, #tpu.memory_space<vmem>>) dst(%dma_wait3A_245 : memref<4096xf32, #tpu.memory_space<hbm>>)
    %dma_wait3A_249 = arith.constant 1 : i32
    %dma_wait3A_250 = arith.constant 0 : i32
    %dma_wait3A_251 = tpu.memref_slice %arg7[%dma_wait3A_249, %dma_wait3A_250] : memref<2x4096xf32, #tpu.memory_space<vmem>> -> memref<1x4096xf32, #tpu.memory_space<vmem>>
    %dma_wait3A_252 = tpu.memref_squeeze %dma_wait3A_251 : memref<1x4096xf32, #tpu.memory_space<vmem>> -> memref<4096xf32, #tpu.memory_space<vmem>>
    %dma_wait3A_253 = arith.constant 12288 : i32
    %dma_wait3A_254 = tpu.memref_slice %arg4[%add3A_133, %dma_wait3A_253] : memref<64x16384xf32, #tpu.memory_space<hbm>> -> memref<1x4096xf32, #tpu.memory_space<hbm>>
    %dma_wait3A_255 = tpu.memref_squeeze %dma_wait3A_254 : memref<1x4096xf32, #tpu.memory_space<hbm>> -> memref<4096xf32, #tpu.memory_space<hbm>>
    %dma_wait3A_256 = arith.constant 12288 : i32
    %dma_wait3A_257 = tpu.memref_slice %arg4[%add3A_133, %dma_wait3A_256] : memref<64x16384xf32, #tpu.memory_space<hbm>> -> memref<1x4096xf32, #tpu.memory_space<hbm>>
    %dma_wait3A_258 = tpu.memref_squeeze %dma_wait3A_257 : memref<1x4096xf32, #tpu.memory_space<hbm>> -> memref<4096xf32, #tpu.memory_space<hbm>>
    %dma_wait3A_259 = arith.constant 0 : i32
    %dma_wait3A_260 = tpu.memref_slice %arg7[%dma_wait3A_249, %dma_wait3A_259] : memref<2x4096xf32, #tpu.memory_space<vmem>> -> memref<1x4096xf32, #tpu.memory_space<vmem>>
    %dma_wait3A_261 = tpu.memref_squeeze %dma_wait3A_260 : memref<1x4096xf32, #tpu.memory_space<vmem>> -> memref<4096xf32, #tpu.memory_space<vmem>>
    tpu.wait_dma2 semaphore(%arg10 : memref<!tpu.dma_semaphore, #tpu.memory_space<semaphore_mem>>) src(%dma_wait3A_261 : memref<4096xf32, #tpu.memory_space<vmem>>) dst(%dma_wait3A_258 : memref<4096xf32, #tpu.memory_space<hbm>>)
    return
  }
}

</mosaic_0001>

<sc_bundles>
// kernel: kernel.3.cloned.1.call-start
scs
__scs_entry_jumppad:
0x0: {  	(pc) =	sbr.rel $0x88, $3  }
0x1: {  	(tag) =	ssettag $0x0;
	lr =	simm.s32 $0x1  }
0x2: {  	[smem:$0x3F9F] =	sst lr;
	_ =	strace $0xD0000000  }
0x3: {  	_ = 	snop  }
0x4: {  	_ = 	snop  }
0x5: {  	_ = 	snop  }
0x6: {  	_ = 	snop  }
0x7: {  	_ = 	snop  }
__scs_overlays_trampoline_lowered:
0x8: {  	[smem:$0x3FAE] =	sst s0  }
0x9: {  	[smem:$0x3FAF] =	sst s1  }
0xa: {  	[smem:$0x3FB0] =	sst s2  }
0xb: {  	[smem:$0x3FB1] =	sst s3  }
0xc: {  	[smem:$0x3FB2] =	sst s4  }
0xd: {  	[smem:$0x3FB3] =	sst s5  }
0xe: {  	[smem:$0x3FB4] =	sst s6  }
0xf: {  	[smem:$0x3FB5] =	sst s7  }
0x10: {  	[smem:$0x3FB6] =	sst s8  }
0x11: {  	[smem:$0x3FB7] =	sst s9;
	s0 =	simm.s32 @!p0 $0x0  }
0x12: {  	s1 =	sld [smem:$0x3F9D];
	s0 =	simm.s32 @p0 $0x1  }
0x13: {  	[smem:$0x3FB8] =	sst s0;
	s0 =	simm.s32 @!p1 $0x0  }
0x14: {  	s2 =	sld [smem:$0x3F9C];
	s0 =	simm.s32 @p1 $0x1  }
0x15: {  	[smem:$0x3FB9] =	sst s0;
	s0 =	simm.s32 @!p2 $0x0  }
0x16: {  	s3 =	sld [smem:$0x3FDB];
	s0 =	simm.s32 @p2 $0x1  }
0x17: {  	s4 =	simm.s32 $0x1BF5;
	[smem:$0x3FBB] =	sst s0  }
0x18: {  	s0 =	sld [smem:$0x3F9E];
	_ =	swait.ge [sflag:s4], $0x0  }
0x19: {  	s7 =	sld [smem:$0x3F9F]  }
0x1a: {  	s8 =	sadd.s32 $0xFFFFE003, lr  }
0x1b: {  	s9 =	sadd.s32 $0xFFFFFEF7, lr;
	s5 =	simm.s32 $0xFFFFFFFF;
	p2 =	slt.u32 s8, $0xFFFFF086  }
0x1c: {  	p1 =	slt.u32 s9, $0xF7A;
	s5 =	simm.s32 @!p2 $0x0  }
0x1d: {  	s5 =	simm.s32 @p1 $0x1;
	p0 =	seq.s32 s7, s2  }
0x1e: {  	s7 =	smul.u32 @!p0 $0xF7A, s2;
	p2 =	seq.s32 @!p0 s5, $0x0  }
0x1f: {  	s9 =	smul.u32 $0xF7A, s1;
	s8 =	simm.s32 @!p0 $0x1BF5;
	p2 =	por !p2, p0  }
0x20: {  	[sflag:s8] =	ssyncset.s32 @!p0 $0xFFFFF086;
	s6 =	sadd.s32 @!p0 s3, s7;
	s7 =	simm.s32 @!p0 $0x108  }
0x21: {  	s3 =	sadd.s32 s3, s9;
	s6 =	sadd.s32 @!p0 $0x88, s6;
	s7 =	simm.s32 @p2 $0x1082  }
0x22: {  	[simem:s7], [sflag:s8] =	dma.local @!p0 [hbm:s6], $0xF7A  }
0x23: {  	s9 =	sor.u32 $0xD0000000, s2;
	s6 =	simm.s32 $0x108;
	_ =	swait.ge @!p0 [sflag:s8], $0x0  }
0x24: {  	s3 =	sadd.s32 $0x88, s3;
	s6 =	simm.s32 @!p1 $0x1082;
	[sflag:s4] =	ssyncset.s32 $0xFFFFF086  }
0x25: {  	[simem:s6], [sflag:s4] =	dma.local [hbm:s3], $0xF7A  }
0x26: {  	[smem:$0x3F9F] =	sst s1;
	(tag) =	ssettag s2;
	_ =	strace s9  }
0x27: {  	s1 =	sld [smem:$0x3FAF]  }
0x28: {  	s2 =	sld [smem:$0x3FB0]  }
0x29: {  	s4 =	sld [smem:$0x3FB2]  }
0x2a: {  	p0 =	seq.s32 s5, $0x0;
	s5 =	sld [smem:$0x3FB3]  }
0x2b: {  	s6 =	sld [smem:$0x3FB4]  }
0x2c: {  	s7 =	sld [smem:$0x3FB5]  }
0x2d: {  	s3 =	simm.s32 $0x108;
	s8 =	sld [smem:$0x3FB6]  }
0x2e: {  	s3 =	simm.s32 @!p0 $0x1082;
	s9 =	sld [smem:$0x3FB7]  }
0x2f: {  	lr =	sadd.s32 s0, s3;
	s0 =	sld [smem:$0x3FAE]  }
0x30: {  	s3 =	sld [smem:$0x3FB1]  }
0x31: {  	[smem:$0x3FBA] =	sst s10  }
0x32: {  	s10 =	sld [smem:$0x3FB8];
	_ =	sdelay $0x3  }
0x33: {  	p0 =	seq.s32 s10, $0x1;
	s10 =	sld [smem:$0x3FBA];
	_ =	sdelay $0x3  }
0x34: {  	[smem:$0x3FBA] =	sst s10  }
0x35: {  	s10 =	sld [smem:$0x3FB9];
	_ =	sdelay $0x3  }
0x36: {  	p1 =	seq.s32 s10, $0x1;
	s10 =	sld [smem:$0x3FBA];
	_ =	sdelay $0x3  }
0x37: {  	[smem:$0x3FBA] =	sst s10  }
0x38: {  	s10 =	sld [smem:$0x3FBB]  }
0x39: {  	_ = 	snop;
	(pc) =	sbr.ind lr, $3  }
0x3a: {  	_ = 	snop  }
0x3b: {  	_ = 	snop  }
0x3c: {  	p2 =	seq.s32 s10, $0x1;
	s10 =	sld [smem:$0x3FBA]  }
0x3d: {  	_ =	shalt  }
0x3e: {  	_ =	shalt  }
0x3f: {  	_ =	shalt  }
0x40: {  	_ =	shalt  }
0x41: {  	_ =	shalt  }
0x42: {  	_ =	shalt  }
0x43: {  	_ =	shalt  }
0x44: {  	_ =	shalt  }
0x45: {  	_ =	shalt  }
0x46: {  	_ =	shalt  }
0x47: {  	_ =	shalt  }
0x48: {  	_ =	shalt  }
0x49: {  	_ =	shalt  }
0x4a: {  	_ =	shalt  }
0x4b: {  	_ =	shalt  }
0x4c: {  	_ =	shalt  }
0x4d: {  	_ =	shalt  }
0x4e: {  	_ =	shalt  }
0x4f: {  	_ =	shalt  }
0x50: {  	_ =	shalt  }
0x51: {  	_ =	shalt  }
0x52: {  	_ =	shalt  }
0x53: {  	_ =	shalt  }
0x54: {  	_ =	shalt  }
0x55: {  	_ =	shalt  }
0x56: {  	_ =	shalt  }
0x57: {  	_ =	shalt  }
0x58: {  	_ =	shalt  }
0x59: {  	_ =	shalt  }
0x5a: {  	_ =	shalt  }
0x5b: {  	_ =	shalt  }
0x5c: {  	_ =	shalt  }
0x5d: {  	_ =	shalt  }
0x5e: {  	_ =	shalt  }
0x5f: {  	_ =	shalt  }
0x60: {  	_ =	shalt  }
0x61: {  	_ =	shalt  }
0x62: {  	_ =	shalt  }
0x63: {  	_ =	shalt  }
0x64: {  	_ =	shalt  }
0x65: {  	_ =	shalt  }
0x66: {  	_ =	shalt  }
0x67: {  	_ =	shalt  }
0x68: {  	_ =	shalt  }
0x69: {  	_ =	shalt  }
0x6a: {  	_ =	shalt  }
0x6b: {  	_ =	shalt  }
0x6c: {  	_ =	shalt  }
0x6d: {  	_ =	shalt  }
0x6e: {  	_ =	shalt  }
0x6f: {  	_ =	shalt  }
0x70: {  	_ =	shalt  }
0x71: {  	_ =	shalt  }
0x72: {  	_ =	shalt  }
0x73: {  	_ =	shalt  }
0x74: {  	_ =	shalt  }
0x75: {  	_ =	shalt  }
0x76: {  	_ =	shalt  }
0x77: {  	_ =	shalt  }
0x78: {  	_ =	shalt  }
0x79: {  	_ =	shalt  }
0x7a: {  	_ =	shalt  }
0x7b: {  	_ =	shalt  }
0x7c: {  	_ =	shalt  }
0x7d: {  	_ =	shalt  }
0x7e: {  	_ =	shalt  }
0x7f: {  	_ =	shalt  }
0x80: {  	_ =	shalt  }
0x81: {  	_ =	shalt  }
0x82: {  	_ =	shalt  }
0x83: {  	_ =	shalt  }
0x84: {  	_ =	shalt  }
0x85: {  	_ =	shalt  }
0x86: {  	_ =	shalt  }
0x87: {  	_ =	shalt  }
.Lfunc_end0:
.L_simem_size_0:
called_computation_lowered:
.L_overlay_start_0:
0x88: {  	s2 =	sld [smem:$0x3FD9]  }
0x89: {  	s3 =	sld [smem:$0x3FFE];
	_ =	sdelay $0x1  }
0x8a: {  	s1 =	srdreg.scid  }
0x8b: {  	s0 =	sand.u32 $0x1, s1  }
0x8c: {  	s18 =	sshll.u32 s0, $0xA;
	s2 =	sadd.s32 s3, s2  }
0x8d: {  	s2 =	sadd.s32 s2, s18  }
0x8e: {  	[smem:$0x3FC6] =	sst s2  }
0x8f: {  	_ = 	snop  }
0x90: {  	s2 =	sld [smem:$0x3FC9]  }
0x91: {  	s19 =	sld [smem:$0x3FC8]  }
0x92: {  	s4 =	sld [smem:$0x3FD0];
	(tm) =	ssettm $0x1  }
0x93: {  	s5 =	sld [smem:$0x3FFB];
	_ =	sdelay $0x3  }
0x94: {  	_ =	strace s5  }
0x95: {  	s5 =	sld [smem:$0x3FFC];
	_ =	sdelay $0x3  }
0x96: {  	_ =	strace s5  }
0x97: {  	s5 =	sld [smem:$0x3FFD];
	_ =	sdelay $0x3  }
0x98: {  	_ =	strace s5  }
0x99: {  	_ =	strace $0x8FFFFFFF  }
0x9a: {  	s20 =	sld [smem:$0x3FDB];
	_ =	sdelay $0x1  }
0x9b: {  	s6 =	simm.s32 $_scs_section_size  }
0x9c: {  	s7 =	simm.s32 $_size__tile_overlayer_lowered;
	s8 =	simm.s32 $_tile_overlayer_lowered  }
0x9d: {  	s23 =	simm.s32 $0x1BFF;
	s22 =	sshll.u32 s8, $0x1;
	s5 =	sadd.s32 s6, s20  }
0x9e: {  	s9 =	simm.s32 $0x0;
	s21 =	sshll.u32 s7, $0x1;
	s7 =	sadd.s32 s22, s5  }
0x9f: {  	[timem:s9], [sflag:s23] =	dma.local [hbm:s7], s21  }
0xa0: {  	_ =	swait.ge [sflag:s23], s21  }
0xa1: {  	s6 =	ssub.s32 $0x0, s21;
	[sflag:s23] =	ssyncset.done $0x0  }
0xa2: {  	[sflag:s23] =	ssyncadd.s32 s6;
	_ =	sdelay $0x1  }
0xa3: {  	s24 =	simm.s32 $0x1B8B  }
0xa4: {  	_ =	swait.ge [sflag:s24], $0x1  }
0xa5: {  	[sflag:s24] =	ssyncset.done $0x0  }
0xa6: {  	s25 =	simm.s32 $0x1B8E;
	[sflag:s24] =	ssyncadd.s32 $0xFFFFFFFF  }
0xa7: {  	s26 =	simm.s32 $execute0_lowered;
	[smem:$0x3FD2] =	sst s25  }
0xa8: {  	s6 =	sshll.u32 s26, $0x1;
	_ =	strace $0x80000046;
	[dreg:$0x1] =	wrdreg $0xFFFFFFFF  }
0xa9: {  	s28 =	simm.s32 $_size_execute0_lowered;
	s5 =	sadd.s32 s5, s6;
	[dreg:$0x0] =	wrdreg $0x0  }
0xaa: {  	s6 =	sshll.u32 s28, $0x1;
	[dreg:$0x2] =	wrdreg s5  }
0xab: {  	[dreg:$0x3] =	wrdreg s6  }
0xac: {  	[dreg:$0x4] =	wrdreg $0xC0  }
0xad: {  	_ =	task [dreg:s9], $0x5FFFF  }
0xae: {  	[dreg:$0x1] =	wrdreg $0xFFFFFFFF  }
0xaf: {  	[dreg:$0x0] =	wrdreg $0x60  }
0xb0: {  	[dreg:$0x2] =	wrdreg s2  }
0xb1: {  	[dreg:$0x3] =	wrdreg s19  }
0xb2: {  	[dreg:$0x4] =	wrdreg s4  }
0xb3: {  	[dreg:$0x5] =	wrdreg $0x9  }
0xb4: {  	_ =	task.clear_ibuf [dreg:s9], $0x6FFFF;
	_ =	strace $0x90000046  }
0xb5: {  	s29 =	simm.s32 $0x9;
	_ =	strace $0x80000048  }
0xb6: {  	_ =	swait.ge [sflag:s29], $0x1  }
0xb7: {  	[sflag:s29] =	ssyncadd.s32 $0xFFFFFFFF  }
0xb8: {  	_ =	strace $0x90000048  }
0xb9: {  	_ =	sfence  }
0xba: {  	s30 =	sld [smem:$0x0];
	_ =	sdelay $0x2  }
0xbb: {  	s31 =	sshll.u32 s1, $0xD;
	s1 =	sshrl.u32 s1, $0x2  }
0xbc: {  	s3 =	sand.u32 $0x4000, s31;
	s1 =	sadd.s32 s1, s30  }
0xbd: {  	s0 =	sor.u32 s3, s0;
	s1 =	sshll.u32 s1, $0x11  }
0xbe: {  	s0 =	sor.u32 s1, s0  }
0xbf: {  	s0 =	sadd.s32 $0x8F2B, s0  }
0xc0: {  	[sflag:s0] =	ssyncadd.remote.s32 $0x1  }
0xc1: {  	_ =	sfence.sel $0xFFFF  }
0xc2: {  	[dreg:$0x0] =	wrdreg $0xFFFFFFFF;
	(pc) =	sbr.abs _section_cstart, $3  }
0xc3: {  	[dreg:$0x1] =	wrdreg $0xFFFFFFFF  }
0xc4: {  	_ =	task.clear_ibuf [dreg:s9], $0x2FFFF;
	_ =	strace $0x9FFFFFFF  }
0xc5: {  	(tm) =	ssettm $0x7FFFFFFF  }
tec
execute0_lowered:
.L_overlay_start_1:
0x0: {  	(tag) =	ssettag $0x1  }
0x1: {  	s1 =	rddreg [dreg:$0x0]  }
0x2: {  	s9 =	rddreg [dreg:$0x1]  }
0x3: {  	s10 =	rddreg [dreg:$0x2]  }
0x4: {  	s0 =	rddreg [dreg:$0x3];
	s3 =	simm.s32 $0x0  }
0x5: {  	s4 =	srdreg.scid;
	s2 =	stileid.u32;
	s19 =	simm.s32 $0x2  }
0x6: {  	s20 =	simm.s32 $0x3;
	s21 =	simm.s32 $0x0;
	[smem:$0x7FF] =	sst s3  }
0x7: {  	s4 =	sand.u32 $0x1, s4;
	s5 =	sshll.u32 s2, $0x9;
	s6 =	sshrl.u32 s2, $0x1  }
0x8: {  	s30 =	sadd.s32 $0x1000, s10;
	s15 =	sadd.s32 $0x2000, s10;
	s17 =	sadd.s32 $0x3000, s10  }
0x9: {  	s7 =	sshll.u32 s4, $0x8;
	s5 =	sand.u32 $0x200, s5;
	s8 =	smul.u32 $0xC3800, s6  }
0xa: {  	_ =	strace $0x80000047;
	s4 =	ssub.s32 $0x2, s4;
	s7 =	sor.u32 s7, s5  }
0xb: {  	s11 =	sshll.u32 s6, $0x11;
	s12 =	sshrl.u32 s4, $0x1;
	s5 =	sor.u32 s8, s7  }
0xc: {  	s6 =	sor.u32 s11, s7;
	s14 =	ssub.s32 s4, s12;
	s16 =	sor.u32 $0x80, s7  }
0xd: {  	s5 =	sshrl.u32 s5, $0x3;
	s13 =	sshrl.u32 s6, $0x3;
	s8 =	sor.u32 s8, s16  }
0xe: {  	s11 =	sor.u32 s11, s16;
	s14 =	smax.u32 s14, $0x1;
	s16 =	simm.s32 $0x400  }
0xf: {  	s4 =	sadd.s32 s9, s5;
	s5 =	sadd.s32 s10, s13;
	s6 =	sadd.s32 s13, s30  }
0x10: {  	s7 =	sadd.s32 s13, s15;
	s18 =	sshrl.u32 s8, $0x3;
	s31 =	sshrl.u32 s11, $0x3  }
0x11: {  	s8 =	sadd.s32 s13, s17;
	s9 =	sadd.s32 s9, s18;
	s10 =	sadd.s32 s10, s31  }
0x12: {  	s11 =	sadd.s32 s31, s30;
	s12 =	sadd.s32 s31, s15;
	s13 =	sadd.s32 s31, s17  }
0x13: {  	s15 =	simm.s32 $0x80;
	s17 =	simm.s32 $0x18700;
	s18 =	simm.s32 $0x1  }
.LBB2_1:
0x14: {  	[tilespmem:s3], [sflag:$0x1] =	stream.strided.gather [hbm4b:s4+s15], $0x18700, s16, s15, $0x38;
	[tilespmem:$0x1E700] =	vst v63  }
0x15: {  	_ = 	snop  }
0x16: {  	[tilespmem:s17], [sflag:$0x2] =	stream.linear.gather [hbm4b:s1+s3], $0x4000, $0x38;
	[tilespmem:$0x1E700] =	vst v63  }
0x17: {  	_ =	swait.ge [sflag:s18], $0x18700  }
0x18: {  	[sflag:s18] =	ssyncset.done $0x0  }
0x19: {  	[sflag:s18] =	ssyncadd.s32 $0xFFFE7900  }
0x1a: {  	_ =	swait.ge [sflag:s19], $0x4000  }
0x1b: {  	[sflag:s19] =	ssyncset.done $0x0  }
0x1c: {  	s22 =	simm.s32 $0x18740;
	[sflag:s19] =	ssyncadd.s32 $0xFFFFC000  }
0x1d: {  	v0 =	vld [tilespmem:s22+$0x30]  }
0x1e: {  	v1 =	vld [tilespmem:s22+$0xFFFFFFD0]  }
0x1f: {  	v2 =	vld [tilespmem:s22+$0xFFFFFFE0]  }
0x20: {  	v3 =	vld [tilespmem:s22+$0xFFFFFFF0]  }
0x21: {  	v4 =	vld [tilespmem:s22+$0x0]  }
0x22: {  	v5 =	vld [tilespmem:s22+$0x10];
	v0 =	vadd.s32 $0x1, v0  }
0x23: {  	v1 =	vadd.s32 $0x1, v1  }
0x24: {  	v2 =	vadd.s32 $0x1, v2  }
0x25: {  	v6 =	vld [tilespmem:s22+$0x20];
	v3 =	vadd.s32 $0x1, v3  }
0x26: {  	v8 =	vld [tilespmem:s22+$0xFFFFFFC0];
	v9 =	vadd.s32 $0x1, v4  }
0x27: {  	v10 =	vadd.s32 $0x1, v5;
	v7 =	vld.idx.msk [tilespmem:v0+s3+$0x0], $0xffff  }
0x28: {  	v4 =	vld.idx.msk [tilespmem:v1+s3+$0x0], $0xffff  }
0x29: {  	v5 =	vld.idx.msk [tilespmem:v2+s3+$0x0], $0xffff  }
0x2a: {  	v3 =	vld.idx.msk [tilespmem:v3+s3+$0x0], $0xffff  }
0x2b: {  	v2 =	vld.idx.msk [tilespmem:v9+s3+$0x0], $0xffff  }
0x2c: {  	s23 =	simm.s32 $0x0;
	s24 =	simm.s32 $0x187C0;
	s22 =	simm.s32 $0x1C740;
	v0 =	vadd.s32 $0x1, v6;
	v1 =	vadd.s32 $0x1, v8;
	v6 =	vld.idx.msk [tilespmem:v10+s3+$0x0], $0xffff  }
.LBB2_2:
0x2d: {  	v8 =	vld [tilespmem:s24+$0x30];
	s23 =	sadd.s32 $0x8, s23;
	[tilespmem:s22+$0x30] =	vst v7  }
0x2e: {  	v7 =	vld [tilespmem:s24+$0xFFFFFFD0];
	p0 =	slt.u32 s23, $0xF8;
	[tilespmem:s22+$0xFFFFFFD0] =	vst v4  }
0x2f: {  	v4 =	vld [tilespmem:s24+$0xFFFFFFE0];
	[tilespmem:s22+$0xFFFFFFE0] =	vst v5  }
0x30: {  	v5 =	vld [tilespmem:s24+$0xFFFFFFF0];
	[tilespmem:s22+$0xFFFFFFF0] =	vst v3  }
0x31: {  	v3 =	vld [tilespmem:s24+$0x0];
	[tilespmem:s22+$0x0] =	vst v2  }
0x32: {  	v2 =	vld [tilespmem:s24+$0x10];
	v8 =	vadd.s32 $0x1, v8;
	[tilespmem:s22+$0x10] =	vst v6  }
0x33: {  	v6 =	vadd.s32 $0x1, v7;
	v9 =	vld [tilespmem:s24+$0x20]  }
0x34: {  	v10 =	vld [tilespmem:s24+$0xFFFFFFC0];
	v11 =	vadd.s32 $0x1, v4  }
0x35: {  	v12 =	vadd.s32 $0x1, v5;
	v13 =	vld.idx.msk [tilespmem:v1+s3+$0x0], $0xffff  }
0x36: {  	v14 =	vadd.s32 $0x1, v3;
	v15 =	vld.idx.msk [tilespmem:v0+s3+$0x0], $0xffff  }
0x37: {  	v16 =	vadd.s32 $0x1, v2;
	v7 =	vld.idx.msk [tilespmem:v8+s3+$0x0], $0xffff  }
.Ltmp0:
0x38: {  	v4 =	vld.idx.msk [tilespmem:v6+s3+$0x0], $0xffff;
	v0 =	vadd.s32 $0x1, v9;
	(pc) =	sbr.rel @p0 .LBB2_2-.Ltmp0, $4  }
0x39: {  	v1 =	vadd.s32 $0x1, v10;
	v5 =	vld.idx.msk [tilespmem:v11+s3+$0x0], $0xffff  }
0x3a: {  	v3 =	vld.idx.msk [tilespmem:v12+s3+$0x0], $0xffff  }
0x3b: {  	v2 =	vld.idx.msk [tilespmem:v14+s3+$0x0], $0xffff;
	[tilespmem:s22+$0xFFFFFFC0] =	vst v13  }
0x3c: {  	s24 =	sadd.s32 $0x80, s24;
	v6 =	vld.idx.msk [tilespmem:v16+s3+$0x0], $0xffff;
	[tilespmem:s22+$0x20] =	vst v15;
	s22 =	sadd.s32 $0x100, s22  }
0x3d: {  	_ =	sdelay $0x2  }
0x3e: {  	[tilespmem:s22+$0x30] =	vst v7  }
0x3f: {  	[tilespmem:s22+$0xFFFFFFD0] =	vst v4;
	v1 =	vld.idx.msk [tilespmem:v1+s3+$0x0], $0xffff  }
0x40: {  	v0 =	vld.idx.msk [tilespmem:v0+s3+$0x0], $0xffff;
	[tilespmem:s22+$0xFFFFFFE0] =	vst v5  }
0x41: {  	[tilespmem:s22+$0xFFFFFFF0] =	vst v3  }
0x42: {  	[tilespmem:s22+$0x0] =	vst v2  }
0x43: {  	[tilespmem:s22+$0x10] =	vst v6  }
0x44: {  	[tilespmem:s22+$0xFFFFFFC0] =	vst v1  }
0x45: {  	s23 =	simm.s32 $0x1C700;
	[tilespmem:s22+$0x20] =	vst v0;
	s22 =	simm.s32 $0x0  }
.LBB2_4:
0x46: {  	p0 =	sne.s32 s22, $0xF80  }
.Ltmp1:
0x47: {  	_ = 	snop;
	(pc) =	sbr.rel @p0 .LBB2_4-.Ltmp1, $4  }
0x48: {  	_ = 	snop  }
0x49: {  	s24 =	sadd.s32 s22, s5  }
0x4a: {  	[hbm4b:s24+s3] =	stream.linear.scatter [tilespmem:s23], [sflag:$0x3], $0x80, $0x38;
	[tilespmem:$0x1E700] =	vst v63  }
0x4b: {  	s22 =	sadd.s32 $0x80, s22;
	s23 =	sadd.s32 $0x100, s23  }
0x4c: {  	s22 =	simm.s32 $0x19770  }
0x4d: {  	v0 =	vld [tilespmem:s22+$0x0]  }
0x4e: {  	v1 =	vld [tilespmem:s22+$0xFFFFFFA0]  }
0x4f: {  	v2 =	vld [tilespmem:s22+$0xFFFFFFB0]  }
0x50: {  	v3 =	vld [tilespmem:s22+$0xFFFFFFC0]  }
0x51: {  	v4 =	vld [tilespmem:s22+$0xFFFFFFD0]  }
0x52: {  	v5 =	vld [tilespmem:s22+$0xFFFFFFE0];
	v0 =	vadd.s32 $0x1, v0  }
0x53: {  	v1 =	vadd.s32 $0x1, v1  }
0x54: {  	v2 =	vadd.s32 $0x1, v2  }
0x55: {  	v6 =	vld [tilespmem:s22+$0xFFFFFFF0];
	v3 =	vadd.s32 $0x1, v3  }
0x56: {  	v8 =	vld [tilespmem:s22+$0xFFFFFF90];
	v9 =	vadd.s32 $0x1, v4  }
0x57: {  	v10 =	vadd.s32 $0x1, v5;
	v7 =	vld.idx.msk [tilespmem:v0+s3+$0x0], $0xffff  }
0x58: {  	v4 =	vld.idx.msk [tilespmem:v1+s3+$0x0], $0xffff  }
0x59: {  	v5 =	vld.idx.msk [tilespmem:v2+s3+$0x0], $0xffff  }
0x5a: {  	v3 =	vld.idx.msk [tilespmem:v3+s3+$0x0], $0xffff  }
0x5b: {  	v2 =	vld.idx.msk [tilespmem:v9+s3+$0x0], $0xffff  }
0x5c: {  	s23 =	simm.s32 $0x0;
	s24 =	simm.s32 $0x197F0;
	s22 =	simm.s32 $0x1C7F0;
	v0 =	vadd.s32 $0x1, v6;
	v1 =	vadd.s32 $0x1, v8;
	v6 =	vld.idx.msk [tilespmem:v10+s3+$0x0], $0xffff  }
.LBB2_6:
0x5d: {  	v8 =	vld [tilespmem:s24+$0x0];
	s23 =	sadd.s32 $0x8, s23;
	[tilespmem:s22+$0x0] =	vst v7  }
0x5e: {  	v7 =	vld [tilespmem:s24+$0xFFFFFFA0];
	p0 =	slt.u32 s23, $0xF8;
	[tilespmem:s22+$0xFFFFFFA0] =	vst v4  }
0x5f: {  	v4 =	vld [tilespmem:s24+$0xFFFFFFB0];
	[tilespmem:s22+$0xFFFFFFB0] =	vst v5  }
0x60: {  	v5 =	vld [tilespmem:s24+$0xFFFFFFC0];
	[tilespmem:s22+$0xFFFFFFC0] =	vst v3  }
0x61: {  	v3 =	vld [tilespmem:s24+$0xFFFFFFD0];
	[tilespmem:s22+$0xFFFFFFD0] =	vst v2  }
0x62: {  	v2 =	vld [tilespmem:s24+$0xFFFFFFE0];
	v8 =	vadd.s32 $0x1, v8;
	[tilespmem:s22+$0xFFFFFFE0] =	vst v6  }
0x63: {  	v6 =	vadd.s32 $0x1, v7;
	v9 =	vld [tilespmem:s24+$0xFFFFFFF0]  }
0x64: {  	v10 =	vld [tilespmem:s24+$0xFFFFFF90];
	v11 =	vadd.s32 $0x1, v4  }
0x65: {  	v12 =	vadd.s32 $0x1, v5;
	v13 =	vld.idx.msk [tilespmem:v1+s3+$0x0], $0xffff  }
0x66: {  	v14 =	vadd.s32 $0x1, v3;
	v15 =	vld.idx.msk [tilespmem:v0+s3+$0x0], $0xffff  }
0x67: {  	v16 =	vadd.s32 $0x1, v2;
	v7 =	vld.idx.msk [tilespmem:v8+s3+$0x0], $0xffff  }
.Ltmp2:
0x68: {  	v4 =	vld.idx.msk [tilespmem:v6+s3+$0x0], $0xffff;
	v0 =	vadd.s32 $0x1, v9;
	(pc) =	sbr.rel @p0 .LBB2_6-.Ltmp2, $4  }
0x69: {  	v1 =	vadd.s32 $0x1, v10;
	v5 =	vld.idx.msk [tilespmem:v11+s3+$0x0], $0xffff  }
0x6a: {  	v3 =	vld.idx.msk [tilespmem:v12+s3+$0x0], $0xffff  }
0x6b: {  	v2 =	vld.idx.msk [tilespmem:v14+s3+$0x0], $0xffff;
	[tilespmem:s22+$0xFFFFFF90] =	vst v13  }
0x6c: {  	s24 =	sadd.s32 $0x80, s24;
	v6 =	vld.idx.msk [tilespmem:v16+s3+$0x0], $0xffff;
	[tilespmem:s22+$0xFFFFFFF0] =	vst v15;
	s22 =	sadd.s32 $0x100, s22  }
0x6d: {  	_ =	sdelay $0x2  }
0x6e: {  	[tilespmem:s22+$0x0] =	vst v7  }
0x6f: {  	[tilespmem:s22+$0xFFFFFFA0] =	vst v4;
	v1 =	vld.idx.msk [tilespmem:v1+s3+$0x0], $0xffff  }
0x70: {  	v0 =	vld.idx.msk [tilespmem:v0+s3+$0x0], $0xffff;
	[tilespmem:s22+$0xFFFFFFB0] =	vst v5  }
0x71: {  	[tilespmem:s22+$0xFFFFFFC0] =	vst v3  }
0x72: {  	[tilespmem:s22+$0xFFFFFFD0] =	vst v2  }
0x73: {  	[tilespmem:s22+$0xFFFFFFE0] =	vst v6  }
0x74: {  	s23 =	simm.s32 $0x1C780;
	[tilespmem:s22+$0xFFFFFF90] =	vst v1  }
0x75: {  	s25 =	sadd.s32 $0x0, s6;
	s24 =	simm.s32 $0x1C880;
	[tilespmem:s22+$0xFFFFFFF0] =	vst v0;
	s22 =	simm.s32 $0x80  }
.LBB2_8:
0x76: {  	[hbm4b:s25+s3] =	stream.linear.scatter [tilespmem:s23], [sflag:$0x3], $0x80, $0x38;
	[tilespmem:$0x1E700] =	vst v63  }
0x77: {  	s25 =	smov.u32 s22;
	s23 =	smov.u32 s24;
	p0 =	sne.s32 s22, $0xF80  }
.Ltmp3:
0x78: {  	s22 =	sadd.s32 $0x80, s22;
	(pc) =	sbr.rel @p0 .LBB2_8-.Ltmp3, $2  }
0x79: {  	_ =	sdelay $0x2  }
0x7a: {  	s24 =	sadd.s32 $0x100, s24;
	s25 =	sadd.s32 s25, s6  }
0x7b: {  	[hbm4b:s25+s3] =	stream.linear.scatter [tilespmem:s23], [sflag:$0x3], $0x80, $0x38;
	[tilespmem:$0x1E700] =	vst v63  }
0x7c: {  	_ =	swait.ge [sflag:s20], $0x1000  }
0x7d: {  	[sflag:s20] =	ssyncset.done $0x0  }
0x7e: {  	s22 =	simm.s32 $0x1A770;
	[sflag:s20] =	ssyncadd.s32 $0xFFFFF000  }
0x7f: {  	v0 =	vld [tilespmem:s22+$0x0]  }
0x80: {  	v1 =	vld [tilespmem:s22+$0xFFFFFFA0]  }
0x81: {  	v2 =	vld [tilespmem:s22+$0xFFFFFFB0]  }
0x82: {  	v3 =	vld [tilespmem:s22+$0xFFFFFFC0]  }
0x83: {  	v4 =	vld [tilespmem:s22+$0xFFFFFFD0]  }
0x84: {  	v5 =	vld [tilespmem:s22+$0xFFFFFFE0];
	v0 =	vadd.s32 $0x1, v0  }
0x85: {  	v1 =	vadd.s32 $0x1, v1  }
0x86: {  	v2 =	vadd.s32 $0x1, v2  }
0x87: {  	v6 =	vld [tilespmem:s22+$0xFFFFFFF0];
	v3 =	vadd.s32 $0x1, v3  }
0x88: {  	v8 =	vld [tilespmem:s22+$0xFFFFFF90];
	v9 =	vadd.s32 $0x1, v4  }
0x89: {  	v10 =	vadd.s32 $0x1, v5;
	v7 =	vld.idx.msk [tilespmem:v0+s3+$0x0], $0xffff  }
0x8a: {  	v4 =	vld.idx.msk [tilespmem:v1+s3+$0x0], $0xffff  }
0x8b: {  	v5 =	vld.idx.msk [tilespmem:v2+s3+$0x0], $0xffff  }
0x8c: {  	v3 =	vld.idx.msk [tilespmem:v3+s3+$0x0], $0xffff  }
0x8d: {  	v2 =	vld.idx.msk [tilespmem:v9+s3+$0x0], $0xffff  }
0x8e: {  	s23 =	simm.s32 $0x0;
	s24 =	simm.s32 $0x1A7F0;
	s22 =	simm.s32 $0x1C740;
	v0 =	vadd.s32 $0x1, v6;
	v1 =	vadd.s32 $0x1, v8;
	v6 =	vld.idx.msk [tilespmem:v10+s3+$0x0], $0xffff  }
.LBB2_10:
0x8f: {  	v8 =	vld [tilespmem:s24+$0x0];
	s23 =	sadd.s32 $0x8, s23;
	[tilespmem:s22+$0x30] =	vst v7  }
0x90: {  	v7 =	vld [tilespmem:s24+$0xFFFFFFA0];
	p0 =	slt.u32 s23, $0xF8;
	[tilespmem:s22+$0xFFFFFFD0] =	vst v4  }
0x91: {  	v4 =	vld [tilespmem:s24+$0xFFFFFFB0];
	[tilespmem:s22+$0xFFFFFFE0] =	vst v5  }
0x92: {  	v5 =	vld [tilespmem:s24+$0xFFFFFFC0];
	[tilespmem:s22+$0xFFFFFFF0] =	vst v3  }
0x93: {  	v3 =	vld [tilespmem:s24+$0xFFFFFFD0];
	[tilespmem:s22+$0x0] =	vst v2  }
0x94: {  	v2 =	vld [tilespmem:s24+$0xFFFFFFE0];
	v8 =	vadd.s32 $0x1, v8;
	[tilespmem:s22+$0x10] =	vst v6  }
0x95: {  	v6 =	vadd.s32 $0x1, v7;
	v9 =	vld [tilespmem:s24+$0xFFFFFFF0]  }
0x96: {  	v10 =	vld [tilespmem:s24+$0xFFFFFF90];
	v11 =	vadd.s32 $0x1, v4  }
0x97: {  	v12 =	vadd.s32 $0x1, v5;
	v13 =	vld.idx.msk [tilespmem:v1+s3+$0x0], $0xffff  }
0x98: {  	v14 =	vadd.s32 $0x1, v3;
	v15 =	vld.idx.msk [tilespmem:v0+s3+$0x0], $0xffff  }
0x99: {  	v16 =	vadd.s32 $0x1, v2;
	v7 =	vld.idx.msk [tilespmem:v8+s3+$0x0], $0xffff  }
.Ltmp4:
0x9a: {  	v4 =	vld.idx.msk [tilespmem:v6+s3+$0x0], $0xffff;
	v0 =	vadd.s32 $0x1, v9;
	(pc) =	sbr.rel @p0 .LBB2_10-.Ltmp4, $4  }
0x9b: {  	v1 =	vadd.s32 $0x1, v10;
	v5 =	vld.idx.msk [tilespmem:v11+s3+$0x0], $0xffff  }
0x9c: {  	v3 =	vld.idx.msk [tilespmem:v12+s3+$0x0], $0xffff  }
0x9d: {  	v2 =	vld.idx.msk [tilespmem:v14+s3+$0x0], $0xffff;
	[tilespmem:s22+$0xFFFFFFC0] =	vst v13  }
0x9e: {  	s24 =	sadd.s32 $0x80, s24;
	v6 =	vld.idx.msk [tilespmem:v16+s3+$0x0], $0xffff;
	[tilespmem:s22+$0x20] =	vst v15;
	s22 =	sadd.s32 $0x100, s22  }
0x9f: {  	_ =	sdelay $0x2  }
0xa0: {  	[tilespmem:s22+$0x30] =	vst v7  }
0xa1: {  	[tilespmem:s22+$0xFFFFFFD0] =	vst v4;
	v1 =	vld.idx.msk [tilespmem:v1+s3+$0x0], $0xffff  }
0xa2: {  	v0 =	vld.idx.msk [tilespmem:v0+s3+$0x0], $0xffff;
	[tilespmem:s22+$0xFFFFFFE0] =	vst v5  }
0xa3: {  	[tilespmem:s22+$0xFFFFFFF0] =	vst v3  }
0xa4: {  	[tilespmem:s22+$0x0] =	vst v2  }
0xa5: {  	[tilespmem:s22+$0x10] =	vst v6  }
0xa6: {  	s23 =	simm.s32 $0x1C700;
	[tilespmem:s22+$0xFFFFFFC0] =	vst v1  }
0xa7: {  	s25 =	sadd.s32 $0x0, s7;
	s24 =	simm.s32 $0x1C800;
	[tilespmem:s22+$0x20] =	vst v0;
	s22 =	simm.s32 $0x80  }
.LBB2_12:
0xa8: {  	[hbm4b:s25+s3] =	stream.linear.scatter [tilespmem:s23], [sflag:$0x3], $0x80, $0x38;
	[tilespmem:$0x1E700] =	vst v63  }
0xa9: {  	s25 =	smov.u32 s22;
	s23 =	smov.u32 s24;
	p0 =	sne.s32 s22, $0xF80  }
.Ltmp5:
0xaa: {  	s22 =	sadd.s32 $0x80, s22;
	(pc) =	sbr.rel @p0 .LBB2_12-.Ltmp5, $2  }
0xab: {  	_ =	sdelay $0x2  }
0xac: {  	s24 =	sadd.s32 $0x100, s24;
	s25 =	sadd.s32 s25, s7  }
0xad: {  	[hbm4b:s25+s3] =	stream.linear.scatter [tilespmem:s23], [sflag:$0x3], $0x80, $0x38;
	[tilespmem:$0x1E700] =	vst v63  }
0xae: {  	_ =	swait.ge [sflag:s20], $0x1000  }
0xaf: {  	[sflag:s20] =	ssyncset.done $0x0  }
0xb0: {  	s22 =	simm.s32 $0x1B770;
	[sflag:s20] =	ssyncadd.s32 $0xFFFFF000  }
0xb1: {  	v0 =	vld [tilespmem:s22+$0x0]  }
0xb2: {  	v1 =	vld [tilespmem:s22+$0xFFFFFFA0]  }
0xb3: {  	v2 =	vld [tilespmem:s22+$0xFFFFFFB0]  }
0xb4: {  	v3 =	vld [tilespmem:s22+$0xFFFFFFC0]  }
0xb5: {  	v4 =	vld [tilespmem:s22+$0xFFFFFFD0]  }
0xb6: {  	v5 =	vld [tilespmem:s22+$0xFFFFFFE0];
	v0 =	vadd.s32 $0x1, v0  }
0xb7: {  	v1 =	vadd.s32 $0x1, v1  }
0xb8: {  	v2 =	vadd.s32 $0x1, v2  }
0xb9: {  	v6 =	vld [tilespmem:s22+$0xFFFFFFF0];
	v3 =	vadd.s32 $0x1, v3  }
0xba: {  	v8 =	vld [tilespmem:s22+$0xFFFFFF90];
	v9 =	vadd.s32 $0x1, v4  }
0xbb: {  	v10 =	vadd.s32 $0x1, v5;
	v7 =	vld.idx.msk [tilespmem:v0+s3+$0x0], $0xffff  }
0xbc: {  	v4 =	vld.idx.msk [tilespmem:v1+s3+$0x0], $0xffff  }
0xbd: {  	v5 =	vld.idx.msk [tilespmem:v2+s3+$0x0], $0xffff  }
0xbe: {  	v3 =	vld.idx.msk [tilespmem:v3+s3+$0x0], $0xffff  }
0xbf: {  	v2 =	vld.idx.msk [tilespmem:v9+s3+$0x0], $0xffff  }
0xc0: {  	s23 =	simm.s32 $0x0;
	s24 =	simm.s32 $0x1B7F0;
	s22 =	simm.s32 $0x1C7F0;
	v0 =	vadd.s32 $0x1, v6;
	v1 =	vadd.s32 $0x1, v8;
	v6 =	vld.idx.msk [tilespmem:v10+s3+$0x0], $0xffff  }
.LBB2_14:
0xc1: {  	v8 =	vld [tilespmem:s24+$0x0];
	s23 =	sadd.s32 $0x8, s23;
	[tilespmem:s22+$0x0] =	vst v7  }
0xc2: {  	v7 =	vld [tilespmem:s24+$0xFFFFFFA0];
	p0 =	slt.u32 s23, $0xF8;
	[tilespmem:s22+$0xFFFFFFA0] =	vst v4  }
0xc3: {  	v4 =	vld [tilespmem:s24+$0xFFFFFFB0];
	[tilespmem:s22+$0xFFFFFFB0] =	vst v5  }
0xc4: {  	v5 =	vld [tilespmem:s24+$0xFFFFFFC0];
	[tilespmem:s22+$0xFFFFFFC0] =	vst v3  }
0xc5: {  	v3 =	vld [tilespmem:s24+$0xFFFFFFD0];
	[tilespmem:s22+$0xFFFFFFD0] =	vst v2  }
0xc6: {  	v2 =	vld [tilespmem:s24+$0xFFFFFFE0];
	v8 =	vadd.s32 $0x1, v8;
	[tilespmem:s22+$0xFFFFFFE0] =	vst v6  }
0xc7: {  	v6 =	vadd.s32 $0x1, v7;
	v9 =	vld [tilespmem:s24+$0xFFFFFFF0]  }
0xc8: {  	v10 =	vld [tilespmem:s24+$0xFFFFFF90];
	v11 =	vadd.s32 $0x1, v4  }
0xc9: {  	v12 =	vadd.s32 $0x1, v5;
	v13 =	vld.idx.msk [tilespmem:v1+s3+$0x0], $0xffff  }
0xca: {  	v14 =	vadd.s32 $0x1, v3;
	v15 =	vld.idx.msk [tilespmem:v0+s3+$0x0], $0xffff  }
0xcb: {  	v16 =	vadd.s32 $0x1, v2;
	v7 =	vld.idx.msk [tilespmem:v8+s3+$0x0], $0xffff  }
.Ltmp6:
0xcc: {  	v4 =	vld.idx.msk [tilespmem:v6+s3+$0x0], $0xffff;
	v0 =	vadd.s32 $0x1, v9;
	(pc) =	sbr.rel @p0 .LBB2_14-.Ltmp6, $4  }
0xcd: {  	v1 =	vadd.s32 $0x1, v10;
	v5 =	vld.idx.msk [tilespmem:v11+s3+$0x0], $0xffff  }
0xce: {  	v3 =	vld.idx.msk [tilespmem:v12+s3+$0x0], $0xffff  }
0xcf: {  	v2 =	vld.idx.msk [tilespmem:v14+s3+$0x0], $0xffff;
	[tilespmem:s22+$0xFFFFFF90] =	vst v13  }
0xd0: {  	s24 =	sadd.s32 $0x80, s24;
	v6 =	vld.idx.msk [tilespmem:v16+s3+$0x0], $0xffff;
	[tilespmem:s22+$0xFFFFFFF0] =	vst v15;
	s22 =	sadd.s32 $0x100, s22  }
0xd1: {  	_ =	sdelay $0x2  }
0xd2: {  	[tilespmem:s22+$0x0] =	vst v7  }
0xd3: {  	[tilespmem:s22+$0xFFFFFFA0] =	vst v4;
	v1 =	vld.idx.msk [tilespmem:v1+s3+$0x0], $0xffff  }
0xd4: {  	v0 =	vld.idx.msk [tilespmem:v0+s3+$0x0], $0xffff;
	[tilespmem:s22+$0xFFFFFFB0] =	vst v5  }
0xd5: {  	[tilespmem:s22+$0xFFFFFFC0] =	vst v3  }
0xd6: {  	[tilespmem:s22+$0xFFFFFFD0] =	vst v2  }
0xd7: {  	[tilespmem:s22+$0xFFFFFFE0] =	vst v6  }
0xd8: {  	s23 =	simm.s32 $0x1C780;
	[tilespmem:s22+$0xFFFFFF90] =	vst v1  }
0xd9: {  	s25 =	sadd.s32 $0x0, s8;
	s24 =	simm.s32 $0x1C880;
	[tilespmem:s22+$0xFFFFFFF0] =	vst v0;
	s22 =	simm.s32 $0x80  }
.LBB2_16:
0xda: {  	[hbm4b:s25+s3] =	stream.linear.scatter [tilespmem:s23], [sflag:$0x3], $0x80, $0x38;
	[tilespmem:$0x1E700] =	vst v63  }
0xdb: {  	s25 =	smov.u32 s22;
	s23 =	smov.u32 s24;
	p0 =	sne.s32 s22, $0xF80  }
.Ltmp7:
0xdc: {  	s22 =	sadd.s32 $0x80, s22;
	(pc) =	sbr.rel @p0 .LBB2_16-.Ltmp7, $2  }
0xdd: {  	_ =	sdelay $0x2  }
0xde: {  	s24 =	sadd.s32 $0x100, s24;
	s25 =	sadd.s32 s25, s8  }
0xdf: {  	[hbm4b:s25+s3] =	stream.linear.scatter [tilespmem:s23], [sflag:$0x3], $0x80, $0x38;
	[tilespmem:$0x1E700] =	vst v63  }
0xe0: {  	_ =	swait.ge [sflag:s20], $0x1000  }
0xe1: {  	[sflag:s20] =	ssyncset.done $0x0  }
0xe2: {  	[sflag:s20] =	ssyncadd.s32 $0xFFFFF000  }
0xe3: {  	_ =	swait.ge [sflag:s20], $0x1000  }
0xe4: {  	[sflag:s20] =	ssyncset.done $0x0  }
0xe5: {  	[sflag:s20] =	ssyncadd.s32 $0xFFFFF000  }
0xe6: {  	[tilespmem:s3], [sflag:$0x1] =	stream.strided.gather [hbm4b:s9+s15], $0x18700, s16, s15, $0x38;
	[tilespmem:$0x1E700] =	vst v63  }
0xe7: {  	_ =	swait.ge [sflag:s18], $0x18700  }
0xe8: {  	[sflag:s18] =	ssyncset.done $0x0  }
0xe9: {  	s22 =	simm.s32 $0x18740;
	[sflag:s18] =	ssyncadd.s32 $0xFFFE7900  }
0xea: {  	v0 =	vld [tilespmem:s22+$0x30]  }
0xeb: {  	v1 =	vld [tilespmem:s22+$0xFFFFFFD0]  }
0xec: {  	v2 =	vld [tilespmem:s22+$0xFFFFFFE0]  }
0xed: {  	v3 =	vld [tilespmem:s22+$0xFFFFFFF0]  }
0xee: {  	v4 =	vld [tilespmem:s22+$0x0]  }
0xef: {  	v5 =	vld [tilespmem:s22+$0x10];
	v0 =	vadd.s32 $0x1, v0  }
0xf0: {  	v1 =	vadd.s32 $0x1, v1  }
0xf1: {  	v2 =	vadd.s32 $0x1, v2  }
0xf2: {  	v6 =	vld [tilespmem:s22+$0x20];
	v3 =	vadd.s32 $0x1, v3  }
0xf3: {  	v8 =	vld [tilespmem:s22+$0xFFFFFFC0];
	v9 =	vadd.s32 $0x1, v4  }
0xf4: {  	v10 =	vadd.s32 $0x1, v5;
	v7 =	vld.idx.msk [tilespmem:v0+s3+$0x0], $0xffff  }
0xf5: {  	v4 =	vld.idx.msk [tilespmem:v1+s3+$0x0], $0xffff  }
0xf6: {  	v5 =	vld.idx.msk [tilespmem:v2+s3+$0x0], $0xffff  }
0xf7: {  	v3 =	vld.idx.msk [tilespmem:v3+s3+$0x0], $0xffff  }
0xf8: {  	v2 =	vld.idx.msk [tilespmem:v9+s3+$0x0], $0xffff  }
0xf9: {  	s23 =	simm.s32 $0x0;
	s24 =	simm.s32 $0x187C0;
	s22 =	simm.s32 $0x1C740;
	v0 =	vadd.s32 $0x1, v6;
	v1 =	vadd.s32 $0x1, v8;
	v6 =	vld.idx.msk [tilespmem:v10+s3+$0x0], $0xffff  }
.LBB2_18:
0xfa: {  	v8 =	vld [tilespmem:s24+$0x30];
	s23 =	sadd.s32 $0x8, s23;
	[tilespmem:s22+$0x30] =	vst v7  }
0xfb: {  	v7 =	vld [tilespmem:s24+$0xFFFFFFD0];
	p0 =	slt.u32 s23, $0xF8;
	[tilespmem:s22+$0xFFFFFFD0] =	vst v4  }
0xfc: {  	v4 =	vld [tilespmem:s24+$0xFFFFFFE0];
	[tilespmem:s22+$0xFFFFFFE0] =	vst v5  }
0xfd: {  	v5 =	vld [tilespmem:s24+$0xFFFFFFF0];
	[tilespmem:s22+$0xFFFFFFF0] =	vst v3  }
0xfe: {  	v3 =	vld [tilespmem:s24+$0x0];
	[tilespmem:s22+$0x0] =	vst v2  }
0xff: {  	v2 =	vld [tilespmem:s24+$0x10];
	v8 =	vadd.s32 $0x1, v8;
	[tilespmem:s22+$0x10] =	vst v6  }
0x100: {  	v6 =	vadd.s32 $0x1, v7;
	v9 =	vld [tilespmem:s24+$0x20]  }
0x101: {  	v10 =	vld [tilespmem:s24+$0xFFFFFFC0];
	v11 =	vadd.s32 $0x1, v4  }
0x102: {  	v12 =	vadd.s32 $0x1, v5;
	v13 =	vld.idx.msk [tilespmem:v1+s3+$0x0], $0xffff  }
0x103: {  	v14 =	vadd.s32 $0x1, v3;
	v15 =	vld.idx.msk [tilespmem:v0+s3+$0x0], $0xffff  }
0x104: {  	v16 =	vadd.s32 $0x1, v2;
	v7 =	vld.idx.msk [tilespmem:v8+s3+$0x0], $0xffff  }
.Ltmp8:
0x105: {  	v4 =	vld.idx.msk [tilespmem:v6+s3+$0x0], $0xffff;
	v0 =	vadd.s32 $0x1, v9;
	(pc) =	sbr.rel @p0 .LBB2_18-.Ltmp8, $4  }
0x106: {  	v1 =	vadd.s32 $0x1, v10;
	v5 =	vld.idx.msk [tilespmem:v11+s3+$0x0], $0xffff  }
0x107: {  	v3 =	vld.idx.msk [tilespmem:v12+s3+$0x0], $0xffff  }
0x108: {  	v2 =	vld.idx.msk [tilespmem:v14+s3+$0x0], $0xffff;
	[tilespmem:s22+$0xFFFFFFC0] =	vst v13  }
0x109: {  	s24 =	sadd.s32 $0x80, s24;
	v6 =	vld.idx.msk [tilespmem:v16+s3+$0x0], $0xffff;
	[tilespmem:s22+$0x20] =	vst v15;
	s22 =	sadd.s32 $0x100, s22  }
0x10a: {  	_ =	sdelay $0x2  }
0x10b: {  	[tilespmem:s22+$0x30] =	vst v7  }
0x10c: {  	[tilespmem:s22+$0xFFFFFFD0] =	vst v4;
	v1 =	vld.idx.msk [tilespmem:v1+s3+$0x0], $0xffff  }
0x10d: {  	v0 =	vld.idx.msk [tilespmem:v0+s3+$0x0], $0xffff;
	[tilespmem:s22+$0xFFFFFFE0] =	vst v5  }
0x10e: {  	[tilespmem:s22+$0xFFFFFFF0] =	vst v3  }
0x10f: {  	[tilespmem:s22+$0x0] =	vst v2  }
0x110: {  	[tilespmem:s22+$0x10] =	vst v6  }
0x111: {  	[tilespmem:s22+$0xFFFFFFC0] =	vst v1  }
0x112: {  	s23 =	simm.s32 $0x1C700;
	[tilespmem:s22+$0x20] =	vst v0;
	s22 =	simm.s32 $0x0  }
.LBB2_20:
0x113: {  	p0 =	sne.s32 s22, $0xF80  }
.Ltmp9:
0x114: {  	_ = 	snop;
	(pc) =	sbr.rel @p0 .LBB2_20-.Ltmp9, $4  }
0x115: {  	_ = 	snop  }
0x116: {  	s24 =	sadd.s32 s22, s10  }
0x117: {  	[hbm4b:s24+s3] =	stream.linear.scatter [tilespmem:s23], [sflag:$0x3], $0x80, $0x38;
	[tilespmem:$0x1E700] =	vst v63  }
0x118: {  	s22 =	sadd.s32 $0x80, s22;
	s23 =	sadd.s32 $0x100, s23  }
0x119: {  	s22 =	simm.s32 $0x19770  }
0x11a: {  	v0 =	vld [tilespmem:s22+$0x0]  }
0x11b: {  	v1 =	vld [tilespmem:s22+$0xFFFFFFA0]  }
0x11c: {  	v2 =	vld [tilespmem:s22+$0xFFFFFFB0]  }
0x11d: {  	v3 =	vld [tilespmem:s22+$0xFFFFFFC0]  }
0x11e: {  	v4 =	vld [tilespmem:s22+$0xFFFFFFD0]  }
0x11f: {  	v5 =	vld [tilespmem:s22+$0xFFFFFFE0];
	v0 =	vadd.s32 $0x1, v0  }
0x120: {  	v1 =	vadd.s32 $0x1, v1  }
0x121: {  	v2 =	vadd.s32 $0x1, v2  }
0x122: {  	v6 =	vld [tilespmem:s22+$0xFFFFFFF0];
	v3 =	vadd.s32 $0x1, v3  }
0x123: {  	v8 =	vld [tilespmem:s22+$0xFFFFFF90];
	v9 =	vadd.s32 $0x1, v4  }
0x124: {  	v10 =	vadd.s32 $0x1, v5;
	v7 =	vld.idx.msk [tilespmem:v0+s3+$0x0], $0xffff  }
0x125: {  	v4 =	vld.idx.msk [tilespmem:v1+s3+$0x0], $0xffff  }
0x126: {  	v5 =	vld.idx.msk [tilespmem:v2+s3+$0x0], $0xffff  }
0x127: {  	v3 =	vld.idx.msk [tilespmem:v3+s3+$0x0], $0xffff  }
0x128: {  	v2 =	vld.idx.msk [tilespmem:v9+s3+$0x0], $0xffff  }
0x129: {  	s23 =	simm.s32 $0x0;
	s24 =	simm.s32 $0x197F0;
	s22 =	simm.s32 $0x1C7F0;
	v0 =	vadd.s32 $0x1, v6;
	v1 =	vadd.s32 $0x1, v8;
	v6 =	vld.idx.msk [tilespmem:v10+s3+$0x0], $0xffff  }
.LBB2_22:
0x12a: {  	v8 =	vld [tilespmem:s24+$0x0];
	s23 =	sadd.s32 $0x8, s23;
	[tilespmem:s22+$0x0] =	vst v7  }
0x12b: {  	v7 =	vld [tilespmem:s24+$0xFFFFFFA0];
	p0 =	slt.u32 s23, $0xF8;
	[tilespmem:s22+$0xFFFFFFA0] =	vst v4  }
0x12c: {  	v4 =	vld [tilespmem:s24+$0xFFFFFFB0];
	[tilespmem:s22+$0xFFFFFFB0] =	vst v5  }
0x12d: {  	v5 =	vld [tilespmem:s24+$0xFFFFFFC0];
	[tilespmem:s22+$0xFFFFFFC0] =	vst v3  }
0x12e: {  	v3 =	vld [tilespmem:s24+$0xFFFFFFD0];
	[tilespmem:s22+$0xFFFFFFD0] =	vst v2  }
0x12f: {  	v2 =	vld [tilespmem:s24+$0xFFFFFFE0];
	v8 =	vadd.s32 $0x1, v8;
	[tilespmem:s22+$0xFFFFFFE0] =	vst v6  }
0x130: {  	v6 =	vadd.s32 $0x1, v7;
	v9 =	vld [tilespmem:s24+$0xFFFFFFF0]  }
0x131: {  	v10 =	vld [tilespmem:s24+$0xFFFFFF90];
	v11 =	vadd.s32 $0x1, v4  }
0x132: {  	v12 =	vadd.s32 $0x1, v5;
	v13 =	vld.idx.msk [tilespmem:v1+s3+$0x0], $0xffff  }
0x133: {  	v14 =	vadd.s32 $0x1, v3;
	v15 =	vld.idx.msk [tilespmem:v0+s3+$0x0], $0xffff  }
0x134: {  	v16 =	vadd.s32 $0x1, v2;
	v7 =	vld.idx.msk [tilespmem:v8+s3+$0x0], $0xffff  }
.Ltmp10:
0x135: {  	v4 =	vld.idx.msk [tilespmem:v6+s3+$0x0], $0xffff;
	v0 =	vadd.s32 $0x1, v9;
	(pc) =	sbr.rel @p0 .LBB2_22-.Ltmp10, $4  }
0x136: {  	v1 =	vadd.s32 $0x1, v10;
	v5 =	vld.idx.msk [tilespmem:v11+s3+$0x0], $0xffff  }
0x137: {  	v3 =	vld.idx.msk [tilespmem:v12+s3+$0x0], $0xffff  }
0x138: {  	v2 =	vld.idx.msk [tilespmem:v14+s3+$0x0], $0xffff;
	[tilespmem:s22+$0xFFFFFF90] =	vst v13  }
0x139: {  	s24 =	sadd.s32 $0x80, s24;
	v6 =	vld.idx.msk [tilespmem:v16+s3+$0x0], $0xffff;
	[tilespmem:s22+$0xFFFFFFF0] =	vst v15;
	s22 =	sadd.s32 $0x100, s22  }
0x13a: {  	_ =	sdelay $0x2  }
0x13b: {  	[tilespmem:s22+$0x0] =	vst v7  }
0x13c: {  	[tilespmem:s22+$0xFFFFFFA0] =	vst v4;
	v1 =	vld.idx.msk [tilespmem:v1+s3+$0x0], $0xffff  }
0x13d: {  	v0 =	vld.idx.msk [tilespmem:v0+s3+$0x0], $0xffff;
	[tilespmem:s22+$0xFFFFFFB0] =	vst v5  }
0x13e: {  	[tilespmem:s22+$0xFFFFFFC0] =	vst v3  }
0x13f: {  	[tilespmem:s22+$0xFFFFFFD0] =	vst v2  }
0x140: {  	[tilespmem:s22+$0xFFFFFFE0] =	vst v6  }
0x141: {  	s23 =	simm.s32 $0x1C780;
	[tilespmem:s22+$0xFFFFFF90] =	vst v1  }
0x142: {  	s25 =	sadd.s32 $0x0, s11;
	s24 =	simm.s32 $0x1C880;
	[tilespmem:s22+$0xFFFFFFF0] =	vst v0;
	s22 =	simm.s32 $0x80  }
.LBB2_24:
0x143: {  	[hbm4b:s25+s3] =	stream.linear.scatter [tilespmem:s23], [sflag:$0x3], $0x80, $0x38;
	[tilespmem:$0x1E700] =	vst v63  }
0x144: {  	s25 =	smov.u32 s22;
	s23 =	smov.u32 s24;
	p0 =	sne.s32 s22, $0xF80  }
.Ltmp11:
0x145: {  	s22 =	sadd.s32 $0x80, s22;
	(pc) =	sbr.rel @p0 .LBB2_24-.Ltmp11, $2  }
0x146: {  	_ =	sdelay $0x2  }
0x147: {  	s24 =	sadd.s32 $0x100, s24;
	s25 =	sadd.s32 s25, s11  }
0x148: {  	[hbm4b:s25+s3] =	stream.linear.scatter [tilespmem:s23], [sflag:$0x3], $0x80, $0x38;
	[tilespmem:$0x1E700] =	vst v63  }
0x149: {  	_ =	swait.ge [sflag:s20], $0x1000  }
0x14a: {  	[sflag:s20] =	ssyncset.done $0x0  }
0x14b: {  	s22 =	simm.s32 $0x1A770;
	[sflag:s20] =	ssyncadd.s32 $0xFFFFF000  }
0x14c: {  	v0 =	vld [tilespmem:s22+$0x0]  }
0x14d: {  	v1 =	vld [tilespmem:s22+$0xFFFFFFA0]  }
0x14e: {  	v2 =	vld [tilespmem:s22+$0xFFFFFFB0]  }
0x14f: {  	v3 =	vld [tilespmem:s22+$0xFFFFFFC0]  }
0x150: {  	v4 =	vld [tilespmem:s22+$0xFFFFFFD0]  }
0x151: {  	v5 =	vld [tilespmem:s22+$0xFFFFFFE0];
	v0 =	vadd.s32 $0x1, v0  }
0x152: {  	v1 =	vadd.s32 $0x1, v1  }
0x153: {  	v2 =	vadd.s32 $0x1, v2  }
0x154: {  	v6 =	vld [tilespmem:s22+$0xFFFFFFF0];
	v3 =	vadd.s32 $0x1, v3  }
0x155: {  	v8 =	vld [tilespmem:s22+$0xFFFFFF90];
	v9 =	vadd.s32 $0x1, v4  }
0x156: {  	v10 =	vadd.s32 $0x1, v5;
	v7 =	vld.idx.msk [tilespmem:v0+s3+$0x0], $0xffff  }
0x157: {  	v4 =	vld.idx.msk [tilespmem:v1+s3+$0x0], $0xffff  }
0x158: {  	v5 =	vld.idx.msk [tilespmem:v2+s3+$0x0], $0xffff  }
0x159: {  	v3 =	vld.idx.msk [tilespmem:v3+s3+$0x0], $0xffff  }
0x15a: {  	v2 =	vld.idx.msk [tilespmem:v9+s3+$0x0], $0xffff  }
0x15b: {  	s23 =	simm.s32 $0x0;
	s24 =	simm.s32 $0x1A7F0;
	s22 =	simm.s32 $0x1C740;
	v0 =	vadd.s32 $0x1, v6;
	v1 =	vadd.s32 $0x1, v8;
	v6 =	vld.idx.msk [tilespmem:v10+s3+$0x0], $0xffff  }
.LBB2_26:
0x15c: {  	v8 =	vld [tilespmem:s24+$0x0];
	s23 =	sadd.s32 $0x8, s23;
	[tilespmem:s22+$0x30] =	vst v7  }
0x15d: {  	v7 =	vld [tilespmem:s24+$0xFFFFFFA0];
	p0 =	slt.u32 s23, $0xF8;
	[tilespmem:s22+$0xFFFFFFD0] =	vst v4  }
0x15e: {  	v4 =	vld [tilespmem:s24+$0xFFFFFFB0];
	[tilespmem:s22+$0xFFFFFFE0] =	vst v5  }
0x15f: {  	v5 =	vld [tilespmem:s24+$0xFFFFFFC0];
	[tilespmem:s22+$0xFFFFFFF0] =	vst v3  }
0x160: {  	v3 =	vld [tilespmem:s24+$0xFFFFFFD0];
	[tilespmem:s22+$0x0] =	vst v2  }
0x161: {  	v2 =	vld [tilespmem:s24+$0xFFFFFFE0];
	v8 =	vadd.s32 $0x1, v8;
	[tilespmem:s22+$0x10] =	vst v6  }
0x162: {  	v6 =	vadd.s32 $0x1, v7;
	v9 =	vld [tilespmem:s24+$0xFFFFFFF0]  }
0x163: {  	v10 =	vld [tilespmem:s24+$0xFFFFFF90];
	v11 =	vadd.s32 $0x1, v4  }
0x164: {  	v12 =	vadd.s32 $0x1, v5;
	v13 =	vld.idx.msk [tilespmem:v1+s3+$0x0], $0xffff  }
0x165: {  	v14 =	vadd.s32 $0x1, v3;
	v15 =	vld.idx.msk [tilespmem:v0+s3+$0x0], $0xffff  }
0x166: {  	v16 =	vadd.s32 $0x1, v2;
	v7 =	vld.idx.msk [tilespmem:v8+s3+$0x0], $0xffff  }
.Ltmp12:
0x167: {  	v4 =	vld.idx.msk [tilespmem:v6+s3+$0x0], $0xffff;
	v0 =	vadd.s32 $0x1, v9;
	(pc) =	sbr.rel @p0 .LBB2_26-.Ltmp12, $4  }
0x168: {  	v1 =	vadd.s32 $0x1, v10;
	v5 =	vld.idx.msk [tilespmem:v11+s3+$0x0], $0xffff  }
0x169: {  	v3 =	vld.idx.msk [tilespmem:v12+s3+$0x0], $0xffff  }
0x16a: {  	v2 =	vld.idx.msk [tilespmem:v14+s3+$0x0], $0xffff;
	[tilespmem:s22+$0xFFFFFFC0] =	vst v13  }
0x16b: {  	s24 =	sadd.s32 $0x80, s24;
	v6 =	vld.idx.msk [tilespmem:v16+s3+$0x0], $0xffff;
	[tilespmem:s22+$0x20] =	vst v15;
	s22 =	sadd.s32 $0x100, s22  }
0x16c: {  	_ =	sdelay $0x2  }
0x16d: {  	[tilespmem:s22+$0x30] =	vst v7  }
0x16e: {  	[tilespmem:s22+$0xFFFFFFD0] =	vst v4;
	v1 =	vld.idx.msk [tilespmem:v1+s3+$0x0], $0xffff  }
0x16f: {  	v0 =	vld.idx.msk [tilespmem:v0+s3+$0x0], $0xffff;
	[tilespmem:s22+$0xFFFFFFE0] =	vst v5  }
0x170: {  	[tilespmem:s22+$0xFFFFFFF0] =	vst v3  }
0x171: {  	[tilespmem:s22+$0x0] =	vst v2  }
0x172: {  	[tilespmem:s22+$0x10] =	vst v6  }
0x173: {  	s23 =	simm.s32 $0x1C700;
	[tilespmem:s22+$0xFFFFFFC0] =	vst v1  }
0x174: {  	s25 =	sadd.s32 $0x0, s12;
	s24 =	simm.s32 $0x1C800;
	[tilespmem:s22+$0x20] =	vst v0;
	s22 =	simm.s32 $0x80  }
.LBB2_28:
0x175: {  	[hbm4b:s25+s3] =	stream.linear.scatter [tilespmem:s23], [sflag:$0x3], $0x80, $0x38;
	[tilespmem:$0x1E700] =	vst v63  }
0x176: {  	s25 =	smov.u32 s22;
	s23 =	smov.u32 s24;
	p0 =	sne.s32 s22, $0xF80  }
.Ltmp13:
0x177: {  	s22 =	sadd.s32 $0x80, s22;
	(pc) =	sbr.rel @p0 .LBB2_28-.Ltmp13, $2  }
0x178: {  	_ =	sdelay $0x2  }
0x179: {  	s24 =	sadd.s32 $0x100, s24;
	s25 =	sadd.s32 s25, s12  }
0x17a: {  	[hbm4b:s25+s3] =	stream.linear.scatter [tilespmem:s23], [sflag:$0x3], $0x80, $0x38;
	[tilespmem:$0x1E700] =	vst v63  }
0x17b: {  	_ =	swait.ge [sflag:s20], $0x1000  }
0x17c: {  	[sflag:s20] =	ssyncset.done $0x0  }
0x17d: {  	s22 =	simm.s32 $0x1B770;
	[sflag:s20] =	ssyncadd.s32 $0xFFFFF000  }
0x17e: {  	v0 =	vld [tilespmem:s22+$0x0]  }
0x17f: {  	v1 =	vld [tilespmem:s22+$0xFFFFFFA0]  }
0x180: {  	v2 =	vld [tilespmem:s22+$0xFFFFFFB0]  }
0x181: {  	v3 =	vld [tilespmem:s22+$0xFFFFFFC0]  }
0x182: {  	v4 =	vld [tilespmem:s22+$0xFFFFFFD0]  }
0x183: {  	v5 =	vld [tilespmem:s22+$0xFFFFFFE0];
	v0 =	vadd.s32 $0x1, v0  }
0x184: {  	v1 =	vadd.s32 $0x1, v1  }
0x185: {  	v2 =	vadd.s32 $0x1, v2  }
0x186: {  	v6 =	vld [tilespmem:s22+$0xFFFFFFF0];
	v3 =	vadd.s32 $0x1, v3  }
0x187: {  	v8 =	vld [tilespmem:s22+$0xFFFFFF90];
	v9 =	vadd.s32 $0x1, v4  }
0x188: {  	v10 =	vadd.s32 $0x1, v5;
	v7 =	vld.idx.msk [tilespmem:v0+s3+$0x0], $0xffff  }
0x189: {  	v4 =	vld.idx.msk [tilespmem:v1+s3+$0x0], $0xffff  }
0x18a: {  	v5 =	vld.idx.msk [tilespmem:v2+s3+$0x0], $0xffff  }
0x18b: {  	v3 =	vld.idx.msk [tilespmem:v3+s3+$0x0], $0xffff  }
0x18c: {  	v2 =	vld.idx.msk [tilespmem:v9+s3+$0x0], $0xffff  }
0x18d: {  	s23 =	simm.s32 $0x0;
	s24 =	simm.s32 $0x1B7F0;
	s22 =	simm.s32 $0x1C7F0;
	v0 =	vadd.s32 $0x1, v6;
	v1 =	vadd.s32 $0x1, v8;
	v6 =	vld.idx.msk [tilespmem:v10+s3+$0x0], $0xffff  }
.LBB2_30:
0x18e: {  	v8 =	vld [tilespmem:s24+$0x0];
	s23 =	sadd.s32 $0x8, s23;
	[tilespmem:s22+$0x0] =	vst v7  }
0x18f: {  	v7 =	vld [tilespmem:s24+$0xFFFFFFA0];
	p0 =	slt.u32 s23, $0xF8;
	[tilespmem:s22+$0xFFFFFFA0] =	vst v4  }
0x190: {  	v4 =	vld [tilespmem:s24+$0xFFFFFFB0];
	[tilespmem:s22+$0xFFFFFFB0] =	vst v5  }
0x191: {  	v5 =	vld [tilespmem:s24+$0xFFFFFFC0];
	[tilespmem:s22+$0xFFFFFFC0] =	vst v3  }
0x192: {  	v3 =	vld [tilespmem:s24+$0xFFFFFFD0];
	[tilespmem:s22+$0xFFFFFFD0] =	vst v2  }
0x193: {  	v2 =	vld [tilespmem:s24+$0xFFFFFFE0];
	v8 =	vadd.s32 $0x1, v8;
	[tilespmem:s22+$0xFFFFFFE0] =	vst v6  }
0x194: {  	v6 =	vadd.s32 $0x1, v7;
	v9 =	vld [tilespmem:s24+$0xFFFFFFF0]  }
0x195: {  	v10 =	vld [tilespmem:s24+$0xFFFFFF90];
	v11 =	vadd.s32 $0x1, v4  }
0x196: {  	v12 =	vadd.s32 $0x1, v5;
	v13 =	vld.idx.msk [tilespmem:v1+s3+$0x0], $0xffff  }
0x197: {  	v14 =	vadd.s32 $0x1, v3;
	v15 =	vld.idx.msk [tilespmem:v0+s3+$0x0], $0xffff  }
0x198: {  	v16 =	vadd.s32 $0x1, v2;
	v7 =	vld.idx.msk [tilespmem:v8+s3+$0x0], $0xffff  }
.Ltmp14:
0x199: {  	v4 =	vld.idx.msk [tilespmem:v6+s3+$0x0], $0xffff;
	v0 =	vadd.s32 $0x1, v9;
	(pc) =	sbr.rel @p0 .LBB2_30-.Ltmp14, $4  }
0x19a: {  	v1 =	vadd.s32 $0x1, v10;
	v5 =	vld.idx.msk [tilespmem:v11+s3+$0x0], $0xffff  }
0x19b: {  	v3 =	vld.idx.msk [tilespmem:v12+s3+$0x0], $0xffff  }
0x19c: {  	v2 =	vld.idx.msk [tilespmem:v14+s3+$0x0], $0xffff;
	[tilespmem:s22+$0xFFFFFF90] =	vst v13  }
0x19d: {  	s24 =	sadd.s32 $0x80, s24;
	v6 =	vld.idx.msk [tilespmem:v16+s3+$0x0], $0xffff;
	[tilespmem:s22+$0xFFFFFFF0] =	vst v15;
	s22 =	sadd.s32 $0x100, s22  }
0x19e: {  	_ =	sdelay $0x2  }
0x19f: {  	[tilespmem:s22+$0x0] =	vst v7  }
0x1a0: {  	[tilespmem:s22+$0xFFFFFFA0] =	vst v4;
	v1 =	vld.idx.msk [tilespmem:v1+s3+$0x0], $0xffff  }
0x1a1: {  	v0 =	vld.idx.msk [tilespmem:v0+s3+$0x0], $0xffff;
	[tilespmem:s22+$0xFFFFFFB0] =	vst v5  }
0x1a2: {  	[tilespmem:s22+$0xFFFFFFC0] =	vst v3  }
0x1a3: {  	[tilespmem:s22+$0xFFFFFFD0] =	vst v2  }
0x1a4: {  	[tilespmem:s22+$0xFFFFFFE0] =	vst v6  }
0x1a5: {  	s23 =	simm.s32 $0x1C780;
	[tilespmem:s22+$0xFFFFFF90] =	vst v1  }
0x1a6: {  	s25 =	sadd.s32 $0x0, s13;
	s24 =	simm.s32 $0x1C880;
	[tilespmem:s22+$0xFFFFFFF0] =	vst v0;
	s22 =	simm.s32 $0x80  }
.LBB2_32:
0x1a7: {  	[hbm4b:s25+s3] =	stream.linear.scatter [tilespmem:s23], [sflag:$0x3], $0x80, $0x38;
	[tilespmem:$0x1E700] =	vst v63  }
0x1a8: {  	s25 =	smov.u32 s22;
	s23 =	smov.u32 s24;
	p0 =	sne.s32 s22, $0xF80  }
.Ltmp15:
0x1a9: {  	s22 =	sadd.s32 $0x80, s22;
	(pc) =	sbr.rel @p0 .LBB2_32-.Ltmp15, $2  }
0x1aa: {  	_ =	sdelay $0x2  }
0x1ab: {  	s24 =	sadd.s32 $0x100, s24;
	s25 =	sadd.s32 s25, s13  }
0x1ac: {  	[hbm4b:s25+s3] =	stream.linear.scatter [tilespmem:s23], [sflag:$0x3], $0x80, $0x38;
	[tilespmem:$0x1E700] =	vst v63  }
0x1ad: {  	s21 =	sadd.s32 $0x1, s21  }
0x1ae: {  	_ =	swait.ge [sflag:s20], $0x1000;
	p0 =	sne.s32 s21, s14  }
.Ltmp16:
0x1af: {  	[sflag:s20] =	ssyncset.done $0x0;
	(pc) =	sbr.rel @p0 .LBB2_1-.Ltmp16, $4  }
0x1b0: {  	[sflag:s20] =	ssyncadd.s32 $0xFFFFF000  }
0x1b1: {  	_ =	swait.ge [sflag:s20], $0x1000  }
0x1b2: {  	[sflag:s20] =	ssyncset.done $0x0  }
0x1b3: {  	[sflag:s20] =	ssyncadd.s32 $0xFFFFF000  }
0x1b4: {  	_ =	sfence.sel $0x180000  }
0x1b5: {  	[bflag:$0x0] =	sbarrier.arrive $0xFFFF  }
0x1b6: {  	p0 =	sne.s32 s2, $0x0;
	_ =	strace $0x90000047  }
0x1b7: {  	s0 =	sadd.s32 @!p0 $0x100000, s0;
	[bflag:$0x2] =	sbarrier.arrive $0xFFFF  }
0x1b8: {  	[sflag:s0] =	ssyncadd.tile.s32 @!p0 $0x1;
	_ =	shalt  }
.Lfunc_end2:
_tile_overlayer_lowered:
.L_overlay_start_2:
0x1b9: {  	(tag) =	ssettag $0x2  }
0x1ba: {  	s0 =	rddreg [dreg:$0x0];
	s2 =	stileid.u32  }
0x1bb: {  	s1 =	rddreg [dreg:$0x1];
	p0 =	sne.s32 s2, $0x0  }
0x1bc: {  	s3 =	rddreg [dreg:$0x2];
	[bflag:$0x3] =	sbarrier.arrive $0xFFFF;
	s2 =	simm.s32 @!p0 $0x1C04  }
0x1bd: {  	[timem:s3], [sflag:s2] =	dma.local @!p0 [hbm:s0], s1  }
0x1be: {  	s0 =	simm.s32 @!p0 $0x4  }
0x1bf: {  	_ =	swait.ge @!p0 [sflag:s0], s1  }
0x1c0: {  	s1 =	ssub.s32 @!p0 $0x0, s1;
	[sflag:s0] =	ssyncset.done @!p0 $0x0  }
0x1c1: {  	[sflag:s0] =	ssyncadd.s32 @!p0 s1  }
0x1c2: {  	[bflag:$0x3] =	sbarrier.arrive $0xFFFF  }
0x1c3: {  	_ =	shalt  }

</sc_bundles>
